<compile_context>
chip_gen: v7x
topology: tpu7x:2x2x1
jax: 0.10.2.dev20260603
libtpu: 0.0.44.dev20260713+nightly
codegen_flags: <defaults>
</compile_context>

<pallas_src>
import jax
import jax.numpy as jnp
from jax import lax
from jax.experimental import pallas as pl
from jax.experimental.pallas import tpu as pltpu
from jax.experimental.pallas import tpu_sc as plsc

_NUM_CORES = 2
_NUM_SUBCORES = 16
_NUM_WORKERS = _NUM_CORES * _NUM_SUBCORES
_LANES = 16
_BROWS = 8


def kernel(indices, table):
    B, S = indices.shape
    V, D = table.shape
    N = B * S
    per_w = N // _NUM_WORKERS
    chunk = _BROWS * S
    n_chunks = per_w // chunk
    b_per_w = B // _NUM_WORKERS
    flat_idx = indices.reshape(N).astype(jnp.int32)
    mesh = plsc.VectorSubcoreMesh(core_axis_name="c", subcore_axis_name="s")

    @pl.kernel(
        out_type=jax.ShapeDtypeStruct((B, S, D), table.dtype),
        mesh=mesh,
        scratch_types=[
            pltpu.VMEM((chunk,), jnp.int32),
            pltpu.VMEM((chunk,), jnp.int32),
            pltpu.VMEM((_BROWS, S, D), jnp.float32),
            pltpu.VMEM((_BROWS, S, D), jnp.float32),
            pltpu.SemaphoreType.DMA,
            pltpu.SemaphoreType.DMA,
        ],
    )
    def gather_kernel(
        table_hbm, idx_hbm, out_hbm, idx_v0, idx_v1, rows_v0, rows_v1, sem0, sem1
    ):
        wid = lax.axis_index("s") * _NUM_CORES + lax.axis_index("c")
        base = wid * per_w
        bbase = wid * b_per_w

        def fire(ci, idx_v, rows_v, sem):
            pltpu.sync_copy(
                idx_hbm.at[pl.ds(base + ci * chunk, chunk)], idx_v
            )

            @pl.loop(0, chunk, step=_LANES)
            def _(k):
                vec = idx_v[pl.ds(k, _LANES)]
                for j in range(_LANES):
                    kk = k + j
                    q = (kk * 5243) >> 18
                    r = kk - q * S
                    pltpu.make_async_copy(
                        table_hbm.at[pl.ds(vec[j], 1)],
                        rows_v.at[q, pl.ds(r, 1)],
                        sem,
                    ).start()

        def drain_and_store(ci, rows_v, sem):
            pltpu.make_async_copy(
                out_hbm.at[pl.ds(0, _BROWS)], rows_v, sem
            ).wait()
            pltpu.sync_copy(
                rows_v, out_hbm.at[pl.ds(bbase + ci * _BROWS, _BROWS)]
            )

        fire(0, idx_v0, rows_v0, sem0)

        @pl.loop(0, n_chunks, step=2)
        def _(ci):
            fire(ci + 1, idx_v1, rows_v1, sem1)
            drain_and_store(ci, rows_v0, sem0)

            @pl.when(ci + 2 < n_chunks)
            def _():
                fire(ci + 2, idx_v0, rows_v0, sem0)

            drain_and_store(ci + 1, rows_v1, sem1)

    return gather_kernel(table, flat_idx)

# --- scband reference (transcript-rebuilt; emitter-appended) ---
"""Pipeline reference for scband-torch-deep-embed-58643483460108 (READ-ONLY COPY).

The authoritative reference and input builder live on the scoring server;
editing this copy changes nothing except your own understanding.
"""

import jax, jax.numpy as jnp
import numpy as np


def setup_inputs(seed: int = 0) -> dict:
    key = jax.random.key(seed)
    k1, k2 = jax.random.split(key)
    indices = jax.random.randint(k1, (4096, 50), 0, 1000000, dtype=jnp.int64)
    # nn.Embedding default init: N(0, 1)
    table = jax.random.normal(k2, (1000000, 64), dtype=jnp.float32)
    return {"indices": indices, "table": table}


def reference(indices, table):
    # TorchDeepEmbed.forward: embedding lookup (batch, seq_len) -> (batch, seq_len, embed_dim)
    return jnp.take(table, indices, axis=0)

if __name__ == "__main__":
    import jax
    _d = setup_inputs()
    print(jax.jit(kernel)(*tuple(_d.values())))

</pallas_src>

<mosaic_0001>
#map = affine_map<(d0, d1) -> (0, 0)>
#map1 = affine_map<(d0, d1) -> (0)>
#map2 = affine_map<(d0, d1) -> (0, 0, 0)>
module attributes {stable_mosaic.version = 14 : i64} {
  func.func @gather_kernel(%arg0: i32, %arg1: i32, %arg2: memref<1000000x64xf32, #tpu.memory_space<hbm>>, %arg3: memref<204800xi32, #tpu.memory_space<hbm>>, %arg4: memref<4096x50x64xf32, #tpu.memory_space<hbm>>, %arg5: memref<400xi32, #tpu.memory_space<vmem>>, %arg6: memref<400xi32, #tpu.memory_space<vmem>>, %arg7: memref<8x50x64xf32, #tpu.memory_space<vmem>>, %arg8: memref<8x50x64xf32, #tpu.memory_space<vmem>>, %arg9: memref<!tpu.dma_semaphore, #tpu.memory_space<semaphore_mem>>, %arg10: memref<!tpu.dma_semaphore, #tpu.memory_space<semaphore_mem>>) attributes {dimension_semantics = [#tpu.dimension_semantics<core_parallel>, #tpu.dimension_semantics<subcore_parallel>], iteration_bounds = array<i64: 2, 16>, scalar_prefetch = 0 : i64, scratch_operands = 6 : i64, tpu.core_type = #tpu.core_type<sc_vector_subcore>, window_params = [{transform_indices = #map}, {transform_indices = #map1}, {transform_indices = #map2}]} {
    %mul3A = arith.constant 2 : i32
    %mul3A_0 = arith.muli %arg1, %mul3A : i32
    %add3A = arith.addi %mul3A_0, %arg0 : i32
    %mul3A_1 = arith.constant 6400 : i32
    %mul3A_2 = arith.muli %add3A, %mul3A_1 : i32
    %mul3A_3 = arith.constant 128 : i32
    %mul3A_4 = arith.muli %add3A, %mul3A_3 : i32
    %add3A_5 = arith.constant 0 : i32
    %add3A_6 = arith.addi %mul3A_2, %add3A_5 : i32
    "tpu.region"() ({
      %run_scoped3A = tpu.sem_alloc : memref<!tpu.dma_semaphore, #tpu.memory_space<semaphore_mem>>
      %dma_start3A = tpu.memref_slice %arg3[%add3A_6] : memref<204800xi32, #tpu.memory_space<hbm>> -> memref<400xi32, #tpu.memory_space<hbm>>
      %dma_start3A_16 = tpu.memref_slice %arg3[%add3A_6] : memref<204800xi32, #tpu.memory_space<hbm>> -> memref<400xi32, #tpu.memory_space<hbm>>
      tpu.enqueue_dma source(%dma_start3A_16 : memref<400xi32, #tpu.memory_space<hbm>>) target(%arg5 : memref<400xi32, #tpu.memory_space<vmem>>) target_semaphore(%run_scoped3A : memref<!tpu.dma_semaphore, #tpu.memory_space<semaphore_mem>>)
      %dma_wait3A = tpu.memref_slice %arg3[%add3A_6] : memref<204800xi32, #tpu.memory_space<hbm>> -> memref<400xi32, #tpu.memory_space<hbm>>
      %dma_wait3A_17 = tpu.memref_slice %arg3[%add3A_6] : memref<204800xi32, #tpu.memory_space<hbm>> -> memref<400xi32, #tpu.memory_space<hbm>>
      tpu.wait_dma2 semaphore(%run_scoped3A : memref<!tpu.dma_semaphore, #tpu.memory_space<semaphore_mem>>) src(%dma_wait3A_17 : memref<400xi32, #tpu.memory_space<hbm>>) dst(%arg5 : memref<400xi32, #tpu.memory_space<vmem>>)
      tpu.yield
    }) : () -> ()
    %scan3A = arith.constant 0 : i32
    %scan3A_7 = arith.constant 25 : i32
    %scan3A_8 = arith.addi %scan3A, %scan3A_7 : i32
    %scan3A_9 = arith.constant 1 : i32
    scf.for %scan3A_16 = %scan3A to %scan3A_8 step %scan3A_9  : i32 {
      %mul3A_17 = arith.constant 16 : i32
      %mul3A_18 = arith.muli %scan3A_16, %mul3A_17 : i32
      %add3A_19 = arith.constant 0 : i32
      %add3A_20 = arith.addi %add3A_19, %mul3A_18 : i32
      %get3A = arith.index_cast %add3A_20 : i32 to index
      %get3A_21 = tpu.vector_load %arg5[%get3A] {strides = array<i32>} : memref<400xi32, #tpu.memory_space<vmem>>, vector<16xi32>,
      %get3A_22 = vector.shape_cast %get3A_21 : vector<16xi32> to vector<16xi32>
      %add3A_23 = arith.constant 0 : i32
      %add3A_24 = arith.addi %add3A_20, %add3A_23 : i32
      %mul3A_25 = arith.constant 5243 : i32
      %mul3A_26 = arith.muli %add3A_24, %mul3A_25 : i32
      %shift_right_arithmetic3A = arith.constant 18 : i32
      %shift_right_arithmetic3A_27 = arith.shrsi %mul3A_26, %shift_right_arithmetic3A : i32
      %mul3A_28 = arith.constant 50 : i32
      %mul3A_29 = arith.muli %shift_right_arithmetic3A_27, %mul3A_28 : i32
      %sub3A = arith.subi %add3A_24, %mul3A_29 : i32
      %slice3A = vector.extract_strided_slice %get3A_22 {offsets = [0], sizes = [1], strides = [1]} : vector<16xi32> to vector<1xi32>
      %squeeze3A = vector.extract %slice3A[0] : i32 from vector<1xi32>
      %dma_start3A = arith.constant 0 : i32
      %dma_start3A_30 = tpu.memref_slice %arg7[%shift_right_arithmetic3A_27, %sub3A, %dma_start3A] : memref<8x50x64xf32, #tpu.memory_space<vmem>> -> memref<1x1x64xf32, #tpu.memory_space<vmem>>
      %dma_start3A_31 = tpu.memref_squeeze %dma_start3A_30 : memref<1x1x64xf32, #tpu.memory_space<vmem>> -> memref<1x64xf32, #tpu.memory_space<vmem>>
      %dma_start3A_32 = arith.constant 0 : i32
      %dma_start3A_33 = tpu.memref_slice %arg2[%squeeze3A, %dma_start3A_32] : memref<1000000x64xf32, #tpu.memory_space<hbm>> -> memref<1x64xf32, #tpu.memory_space<hbm>>
      %dma_start3A_34 = arith.constant 0 : i32
      %dma_start3A_35 = tpu.memref_slice %arg7[%shift_right_arithmetic3A_27, %sub3A, %dma_start3A_34] : memref<8x50x64xf32, #tpu.memory_space<vmem>> -> memref<1x1x64xf32, #tpu.memory_space<vmem>>
      %dma_start3A_36 = tpu.memref_squeeze %dma_start3A_35 : memref<1x1x64xf32, #tpu.memory_space<vmem>> -> memref<1x64xf32, #tpu.memory_space<vmem>>
      %dma_start3A_37 = arith.constant 0 : i32
      %dma_start3A_38 = tpu.memref_slice %arg2[%squeeze3A, %dma_start3A_37] : memref<1000000x64xf32, #tpu.memory_space<hbm>> -> memref<1x64xf32, #tpu.memory_space<hbm>>
      tpu.enqueue_dma source(%dma_start3A_38 : memref<1x64xf32, #tpu.memory_space<hbm>>) target(%dma_start3A_36 : memref<1x64xf32, #tpu.memory_space<vmem>>) target_semaphore(%arg9 : memref<!tpu.dma_semaphore, #tpu.memory_space<semaphore_mem>>)
      %add3A_39 = arith.constant 1 : i32
      %add3A_40 = arith.addi %add3A_20, %add3A_39 : i32
      %mul3A_41 = arith.constant 5243 : i32
      %mul3A_42 = arith.muli %add3A_40, %mul3A_41 : i32
      %shift_right_arithmetic3A_43 = arith.constant 18 : i32
      %shift_right_arithmetic3A_44 = arith.shrsi %mul3A_42, %shift_right_arithmetic3A_43 : i32
      %mul3A_45 = arith.constant 50 : i32
      %mul3A_46 = arith.muli %shift_right_arithmetic3A_44, %mul3A_45 : i32
      %sub3A_47 = arith.subi %add3A_40, %mul3A_46 : i32
      %slice3A_48 = vector.extract_strided_slice %get3A_22 {offsets = [1], sizes = [1], strides = [1]} : vector<16xi32> to vector<1xi32>
      %squeeze3A_49 = vector.extract %slice3A_48[0] : i32 from vector<1xi32>
      %dma_start3A_50 = arith.constant 0 : i32
      %dma_start3A_51 = tpu.memref_slice %arg7[%shift_right_arithmetic3A_44, %sub3A_47, %dma_start3A_50] : memref<8x50x64xf32, #tpu.memory_space<vmem>> -> memref<1x1x64xf32, #tpu.memory_space<vmem>>
      %dma_start3A_52 = tpu.memref_squeeze %dma_start3A_51 : memref<1x1x64xf32, #tpu.memory_space<vmem>> -> memref<1x64xf32, #tpu.memory_space<vmem>>
      %dma_start3A_53 = arith.constant 0 : i32
      %dma_start3A_54 = tpu.memref_slice %arg2[%squeeze3A_49, %dma_start3A_53] : memref<1000000x64xf32, #tpu.memory_space<hbm>> -> memref<1x64xf32, #tpu.memory_space<hbm>>
      %dma_start3A_55 = arith.constant 0 : i32
      %dma_start3A_56 = tpu.memref_slice %arg7[%shift_right_arithmetic3A_44, %sub3A_47, %dma_start3A_55] : memref<8x50x64xf32, #tpu.memory_space<vmem>> -> memref<1x1x64xf32, #tpu.memory_space<vmem>>
      %dma_start3A_57 = tpu.memref_squeeze %dma_start3A_56 : memref<1x1x64xf32, #tpu.memory_space<vmem>> -> memref<1x64xf32, #tpu.memory_space<vmem>>
      %dma_start3A_58 = arith.constant 0 : i32
      %dma_start3A_59 = tpu.memref_slice %arg2[%squeeze3A_49, %dma_start3A_58] : memref<1000000x64xf32, #tpu.memory_space<hbm>> -> memref<1x64xf32, #tpu.memory_space<hbm>>
      tpu.enqueue_dma source(%dma_start3A_59 : memref<1x64xf32, #tpu.memory_space<hbm>>) target(%dma_start3A_57 : memref<1x64xf32, #tpu.memory_space<vmem>>) target_semaphore(%arg9 : memref<!tpu.dma_semaphore, #tpu.memory_space<semaphore_mem>>)
      %add3A_60 = arith.constant 2 : i32
      %add3A_61 = arith.addi %add3A_20, %add3A_60 : i32
      %mul3A_62 = arith.constant 5243 : i32
      %mul3A_63 = arith.muli %add3A_61, %mul3A_62 : i32
      %shift_right_arithmetic3A_64 = arith.constant 18 : i32
      %shift_right_arithmetic3A_65 = arith.shrsi %mul3A_63, %shift_right_arithmetic3A_64 : i32
      %mul3A_66 = arith.constant 50 : i32
      %mul3A_67 = arith.muli %shift_right_arithmetic3A_65, %mul3A_66 : i32
      %sub3A_68 = arith.subi %add3A_61, %mul3A_67 : i32
      %slice3A_69 = vector.extract_strided_slice %get3A_22 {offsets = [2], sizes = [1], strides = [1]} : vector<16xi32> to vector<1xi32>
      %squeeze3A_70 = vector.extract %slice3A_69[0] : i32 from vector<1xi32>
      %dma_start3A_71 = arith.constant 0 : i32
      %dma_start3A_72 = tpu.memref_slice %arg7[%shift_right_arithmetic3A_65, %sub3A_68, %dma_start3A_71] : memref<8x50x64xf32, #tpu.memory_space<vmem>> -> memref<1x1x64xf32, #tpu.memory_space<vmem>>
      %dma_start3A_73 = tpu.memref_squeeze %dma_start3A_72 : memref<1x1x64xf32, #tpu.memory_space<vmem>> -> memref<1x64xf32, #tpu.memory_space<vmem>>
      %dma_start3A_74 = arith.constant 0 : i32
      %dma_start3A_75 = tpu.memref_slice %arg2[%squeeze3A_70, %dma_start3A_74] : memref<1000000x64xf32, #tpu.memory_space<hbm>> -> memref<1x64xf32, #tpu.memory_space<hbm>>
      %dma_start3A_76 = arith.constant 0 : i32
      %dma_start3A_77 = tpu.memref_slice %arg7[%shift_right_arithmetic3A_65, %sub3A_68, %dma_start3A_76] : memref<8x50x64xf32, #tpu.memory_space<vmem>> -> memref<1x1x64xf32, #tpu.memory_space<vmem>>
      %dma_start3A_78 = tpu.memref_squeeze %dma_start3A_77 : memref<1x1x64xf32, #tpu.memory_space<vmem>> -> memref<1x64xf32, #tpu.memory_space<vmem>>
      %dma_start3A_79 = arith.constant 0 : i32
      %dma_start3A_80 = tpu.memref_slice %arg2[%squeeze3A_70, %dma_start3A_79] : memref<1000000x64xf32, #tpu.memory_space<hbm>> -> memref<1x64xf32, #tpu.memory_space<hbm>>
      tpu.enqueue_dma source(%dma_start3A_80 : memref<1x64xf32, #tpu.memory_space<hbm>>) target(%dma_start3A_78 : memref<1x64xf32, #tpu.memory_space<vmem>>) target_semaphore(%arg9 : memref<!tpu.dma_semaphore, #tpu.memory_space<semaphore_mem>>)
      %add3A_81 = arith.constant 3 : i32
      %add3A_82 = arith.addi %add3A_20, %add3A_81 : i32
      %mul3A_83 = arith.constant 5243 : i32
      %mul3A_84 = arith.muli %add3A_82, %mul3A_83 : i32
      %shift_right_arithmetic3A_85 = arith.constant 18 : i32
      %shift_right_arithmetic3A_86 = arith.shrsi %mul3A_84, %shift_right_arithmetic3A_85 : i32
      %mul3A_87 = arith.constant 50 : i32
      %mul3A_88 = arith.muli %shift_right_arithmetic3A_86, %mul3A_87 : i32
      %sub3A_89 = arith.subi %add3A_82, %mul3A_88 : i32
      %slice3A_90 = vector.extract_strided_slice %get3A_22 {offsets = [3], sizes = [1], strides = [1]} : vector<16xi32> to vector<1xi32>
      %squeeze3A_91 = vector.extract %slice3A_90[0] : i32 from vector<1xi32>
      %dma_start3A_92 = arith.constant 0 : i32
      %dma_start3A_93 = tpu.memref_slice %arg7[%shift_right_arithmetic3A_86, %sub3A_89, %dma_start3A_92] : memref<8x50x64xf32, #tpu.memory_space<vmem>> -> memref<1x1x64xf32, #tpu.memory_space<vmem>>
      %dma_start3A_94 = tpu.memref_squeeze %dma_start3A_93 : memref<1x1x64xf32, #tpu.memory_space<vmem>> -> memref<1x64xf32, #tpu.memory_space<vmem>>
      %dma_start3A_95 = arith.constant 0 : i32
      %dma_start3A_96 = tpu.memref_slice %arg2[%squeeze3A_91, %dma_start3A_95] : memref<1000000x64xf32, #tpu.memory_space<hbm>> -> memref<1x64xf32, #tpu.memory_space<hbm>>
      %dma_start3A_97 = arith.constant 0 : i32
      %dma_start3A_98 = tpu.memref_slice %arg7[%shift_right_arithmetic3A_86, %sub3A_89, %dma_start3A_97] : memref<8x50x64xf32, #tpu.memory_space<vmem>> -> memref<1x1x64xf32, #tpu.memory_space<vmem>>
      %dma_start3A_99 = tpu.memref_squeeze %dma_start3A_98 : memref<1x1x64xf32, #tpu.memory_space<vmem>> -> memref<1x64xf32, #tpu.memory_space<vmem>>
      %dma_start3A_100 = arith.constant 0 : i32
      %dma_start3A_101 = tpu.memref_slice %arg2[%squeeze3A_91, %dma_start3A_100] : memref<1000000x64xf32, #tpu.memory_space<hbm>> -> memref<1x64xf32, #tpu.memory_space<hbm>>
      tpu.enqueue_dma source(%dma_start3A_101 : memref<1x64xf32, #tpu.memory_space<hbm>>) target(%dma_start3A_99 : memref<1x64xf32, #tpu.memory_space<vmem>>) target_semaphore(%arg9 : memref<!tpu.dma_semaphore, #tpu.memory_space<semaphore_mem>>)
      %add3A_102 = arith.constant 4 : i32
      %add3A_103 = arith.addi %add3A_20, %add3A_102 : i32
      %mul3A_104 = arith.constant 5243 : i32
      %mul3A_105 = arith.muli %add3A_103, %mul3A_104 : i32
      %shift_right_arithmetic3A_106 = arith.constant 18 : i32
      %shift_right_arithmetic3A_107 = arith.shrsi %mul3A_105, %shift_right_arithmetic3A_106 : i32
      %mul3A_108 = arith.constant 50 : i32
      %mul3A_109 = arith.muli %shift_right_arithmetic3A_107, %mul3A_108 : i32
      %sub3A_110 = arith.subi %add3A_103, %mul3A_109 : i32
      %slice3A_111 = vector.extract_strided_slice %get3A_22 {offsets = [4], sizes = [1], strides = [1]} : vector<16xi32> to vector<1xi32>
      %squeeze3A_112 = vector.extract %slice3A_111[0] : i32 from vector<1xi32>
      %dma_start3A_113 = arith.constant 0 : i32
      %dma_start3A_114 = tpu.memref_slice %arg7[%shift_right_arithmetic3A_107, %sub3A_110, %dma_start3A_113] : memref<8x50x64xf32, #tpu.memory_space<vmem>> -> memref<1x1x64xf32, #tpu.memory_space<vmem>>
      %dma_start3A_115 = tpu.memref_squeeze %dma_start3A_114 : memref<1x1x64xf32, #tpu.memory_space<vmem>> -> memref<1x64xf32, #tpu.memory_space<vmem>>
      %dma_start3A_116 = arith.constant 0 : i32
      %dma_start3A_117 = tpu.memref_slice %arg2[%squeeze3A_112, %dma_start3A_116] : memref<1000000x64xf32, #tpu.memory_space<hbm>> -> memref<1x64xf32, #tpu.memory_space<hbm>>
      %dma_start3A_118 = arith.constant 0 : i32
      %dma_start3A_119 = tpu.memref_slice %arg7[%shift_right_arithmetic3A_107, %sub3A_110, %dma_start3A_118] : memref<8x50x64xf32, #tpu.memory_space<vmem>> -> memref<1x1x64xf32, #tpu.memory_space<vmem>>
      %dma_start3A_120 = tpu.memref_squeeze %dma_start3A_119 : memref<1x1x64xf32, #tpu.memory_space<vmem>> -> memref<1x64xf32, #tpu.memory_space<vmem>>
      %dma_start3A_121 = arith.constant 0 : i32
      %dma_start3A_122 = tpu.memref_slice %arg2[%squeeze3A_112, %dma_start3A_121] : memref<1000000x64xf32, #tpu.memory_space<hbm>> -> memref<1x64xf32, #tpu.memory_space<hbm>>
      tpu.enqueue_dma source(%dma_start3A_122 : memref<1x64xf32, #tpu.memory_space<hbm>>) target(%dma_start3A_120 : memref<1x64xf32, #tpu.memory_space<vmem>>) target_semaphore(%arg9 : memref<!tpu.dma_semaphore, #tpu.memory_space<semaphore_mem>>)
      %add3A_123 = arith.constant 5 : i32
      %add3A_124 = arith.addi %add3A_20, %add3A_123 : i32
      %mul3A_125 = arith.constant 5243 : i32
      %mul3A_126 = arith.muli %add3A_124, %mul3A_125 : i32
      %shift_right_arithmetic3A_127 = arith.constant 18 : i32
      %shift_right_arithmetic3A_128 = arith.shrsi %mul3A_126, %shift_right_arithmetic3A_127 : i32
      %mul3A_129 = arith.constant 50 : i32
      %mul3A_130 = arith.muli %shift_right_arithmetic3A_128, %mul3A_129 : i32
      %sub3A_131 = arith.subi %add3A_124, %mul3A_130 : i32
      %slice3A_132 = vector.extract_strided_slice %get3A_22 {offsets = [5], sizes = [1], strides = [1]} : vector<16xi32> to vector<1xi32>
      %squeeze3A_133 = vector.extract %slice3A_132[0] : i32 from vector<1xi32>
      %dma_start3A_134 = arith.constant 0 : i32
      %dma_start3A_135 = tpu.memref_slice %arg7[%shift_right_arithmetic3A_128, %sub3A_131, %dma_start3A_134] : memref<8x50x64xf32, #tpu.memory_space<vmem>> -> memref<1x1x64xf32, #tpu.memory_space<vmem>>
      %dma_start3A_136 = tpu.memref_squeeze %dma_start3A_135 : memref<1x1x64xf32, #tpu.memory_space<vmem>> -> memref<1x64xf32, #tpu.memory_space<vmem>>
      %dma_start3A_137 = arith.constant 0 : i32
      %dma_start3A_138 = tpu.memref_slice %arg2[%squeeze3A_133, %dma_start3A_137] : memref<1000000x64xf32, #tpu.memory_space<hbm>> -> memref<1x64xf32, #tpu.memory_space<hbm>>
      %dma_start3A_139 = arith.constant 0 : i32
      %dma_start3A_140 = tpu.memref_slice %arg7[%shift_right_arithmetic3A_128, %sub3A_131, %dma_start3A_139] : memref<8x50x64xf32, #tpu.memory_space<vmem>> -> memref<1x1x64xf32, #tpu.memory_space<vmem>>
      %dma_start3A_141 = tpu.memref_squeeze %dma_start3A_140 : memref<1x1x64xf32, #tpu.memory_space<vmem>> -> memref<1x64xf32, #tpu.memory_space<vmem>>
      %dma_start3A_142 = arith.constant 0 : i32
      %dma_start3A_143 = tpu.memref_slice %arg2[%squeeze3A_133, %dma_start3A_142] : memref<1000000x64xf32, #tpu.memory_space<hbm>> -> memref<1x64xf32, #tpu.memory_space<hbm>>
      tpu.enqueue_dma source(%dma_start3A_143 : memref<1x64xf32, #tpu.memory_space<hbm>>) target(%dma_start3A_141 : memref<1x64xf32, #tpu.memory_space<vmem>>) target_semaphore(%arg9 : memref<!tpu.dma_semaphore, #tpu.memory_space<semaphore_mem>>)
      %add3A_144 = arith.constant 6 : i32
      %add3A_145 = arith.addi %add3A_20, %add3A_144 : i32
      %mul3A_146 = arith.constant 5243 : i32
      %mul3A_147 = arith.muli %add3A_145, %mul3A_146 : i32
      %shift_right_arithmetic3A_148 = arith.constant 18 : i32
      %shift_right_arithmetic3A_149 = arith.shrsi %mul3A_147, %shift_right_arithmetic3A_148 : i32
      %mul3A_150 = arith.constant 50 : i32
      %mul3A_151 = arith.muli %shift_right_arithmetic3A_149, %mul3A_150 : i32
      %sub3A_152 = arith.subi %add3A_145, %mul3A_151 : i32
      %slice3A_153 = vector.extract_strided_slice %get3A_22 {offsets = [6], sizes = [1], strides = [1]} : vector<16xi32> to vector<1xi32>
      %squeeze3A_154 = vector.extract %slice3A_153[0] : i32 from vector<1xi32>
      %dma_start3A_155 = arith.constant 0 : i32
      %dma_start3A_156 = tpu.memref_slice %arg7[%shift_right_arithmetic3A_149, %sub3A_152, %dma_start3A_155] : memref<8x50x64xf32, #tpu.memory_space<vmem>> -> memref<1x1x64xf32, #tpu.memory_space<vmem>>
      %dma_start3A_157 = tpu.memref_squeeze %dma_start3A_156 : memref<1x1x64xf32, #tpu.memory_space<vmem>> -> memref<1x64xf32, #tpu.memory_space<vmem>>
      %dma_start3A_158 = arith.constant 0 : i32
      %dma_start3A_159 = tpu.memref_slice %arg2[%squeeze3A_154, %dma_start3A_158] : memref<1000000x64xf32, #tpu.memory_space<hbm>> -> memref<1x64xf32, #tpu.memory_space<hbm>>
      %dma_start3A_160 = arith.constant 0 : i32
      %dma_start3A_161 = tpu.memref_slice %arg7[%shift_right_arithmetic3A_149, %sub3A_152, %dma_start3A_160] : memref<8x50x64xf32, #tpu.memory_space<vmem>> -> memref<1x1x64xf32, #tpu.memory_space<vmem>>
      %dma_start3A_162 = tpu.memref_squeeze %dma_start3A_161 : memref<1x1x64xf32, #tpu.memory_space<vmem>> -> memref<1x64xf32, #tpu.memory_space<vmem>>
      %dma_start3A_163 = arith.constant 0 : i32
      %dma_start3A_164 = tpu.memref_slice %arg2[%squeeze3A_154, %dma_start3A_163] : memref<1000000x64xf32, #tpu.memory_space<hbm>> -> memref<1x64xf32, #tpu.memory_space<hbm>>
      tpu.enqueue_dma source(%dma_start3A_164 : memref<1x64xf32, #tpu.memory_space<hbm>>) target(%dma_start3A_162 : memref<1x64xf32, #tpu.memory_space<vmem>>) target_semaphore(%arg9 : memref<!tpu.dma_semaphore, #tpu.memory_space<semaphore_mem>>)
      %add3A_165 = arith.constant 7 : i32
      %add3A_166 = arith.addi %add3A_20, %add3A_165 : i32
      %mul3A_167 = arith.constant 5243 : i32
      %mul3A_168 = arith.muli %add3A_166, %mul3A_167 : i32
      %shift_right_arithmetic3A_169 = arith.constant 18 : i32
      %shift_right_arithmetic3A_170 = arith.shrsi %mul3A_168, %shift_right_arithmetic3A_169 : i32
      %mul3A_171 = arith.constant 50 : i32
      %mul3A_172 = arith.muli %shift_right_arithmetic3A_170, %mul3A_171 : i32
      %sub3A_173 = arith.subi %add3A_166, %mul3A_172 : i32
      %slice3A_174 = vector.extract_strided_slice %get3A_22 {offsets = [7], sizes = [1], strides = [1]} : vector<16xi32> to vector<1xi32>
      %squeeze3A_175 = vector.extract %slice3A_174[0] : i32 from vector<1xi32>
      %dma_start3A_176 = arith.constant 0 : i32
      %dma_start3A_177 = tpu.memref_slice %arg7[%shift_right_arithmetic3A_170, %sub3A_173, %dma_start3A_176] : memref<8x50x64xf32, #tpu.memory_space<vmem>> -> memref<1x1x64xf32, #tpu.memory_space<vmem>>
      %dma_start3A_178 = tpu.memref_squeeze %dma_start3A_177 : memref<1x1x64xf32, #tpu.memory_space<vmem>> -> memref<1x64xf32, #tpu.memory_space<vmem>>
      %dma_start3A_179 = arith.constant 0 : i32
      %dma_start3A_180 = tpu.memref_slice %arg2[%squeeze3A_175, %dma_start3A_179] : memref<1000000x64xf32, #tpu.memory_space<hbm>> -> memref<1x64xf32, #tpu.memory_space<hbm>>
      %dma_start3A_181 = arith.constant 0 : i32
      %dma_start3A_182 = tpu.memref_slice %arg7[%shift_right_arithmetic3A_170, %sub3A_173, %dma_start3A_181] : memref<8x50x64xf32, #tpu.memory_space<vmem>> -> memref<1x1x64xf32, #tpu.memory_space<vmem>>
      %dma_start3A_183 = tpu.memref_squeeze %dma_start3A_182 : memref<1x1x64xf32, #tpu.memory_space<vmem>> -> memref<1x64xf32, #tpu.memory_space<vmem>>
      %dma_start3A_184 = arith.constant 0 : i32
      %dma_start3A_185 = tpu.memref_slice %arg2[%squeeze3A_175, %dma_start3A_184] : memref<1000000x64xf32, #tpu.memory_space<hbm>> -> memref<1x64xf32, #tpu.memory_space<hbm>>
      tpu.enqueue_dma source(%dma_start3A_185 : memref<1x64xf32, #tpu.memory_space<hbm>>) target(%dma_start3A_183 : memref<1x64xf32, #tpu.memory_space<vmem>>) target_semaphore(%arg9 : memref<!tpu.dma_semaphore, #tpu.memory_space<semaphore_mem>>)
      %add3A_186 = arith.constant 8 : i32
      %add3A_187 = arith.addi %add3A_20, %add3A_186 : i32
      %mul3A_188 = arith.constant 5243 : i32
      %mul3A_189 = arith.muli %add3A_187, %mul3A_188 : i32
      %shift_right_arithmetic3A_190 = arith.constant 18 : i32
      %shift_right_arithmetic3A_191 = arith.shrsi %mul3A_189, %shift_right_arithmetic3A_190 : i32
      %mul3A_192 = arith.constant 50 : i32
      %mul3A_193 = arith.muli %shift_right_arithmetic3A_191, %mul3A_192 : i32
      %sub3A_194 = arith.subi %add3A_187, %mul3A_193 : i32
      %slice3A_195 = vector.extract_strided_slice %get3A_22 {offsets = [8], sizes = [1], strides = [1]} : vector<16xi32> to vector<1xi32>
      %squeeze3A_196 = vector.extract %slice3A_195[0] : i32 from vector<1xi32>
      %dma_start3A_197 = arith.constant 0 : i32
      %dma_start3A_198 = tpu.memref_slice %arg7[%shift_right_arithmetic3A_191, %sub3A_194, %dma_start3A_197] : memref<8x50x64xf32, #tpu.memory_space<vmem>> -> memref<1x1x64xf32, #tpu.memory_space<vmem>>
      %dma_start3A_199 = tpu.memref_squeeze %dma_start3A_198 : memref<1x1x64xf32, #tpu.memory_space<vmem>> -> memref<1x64xf32, #tpu.memory_space<vmem>>
      %dma_start3A_200 = arith.constant 0 : i32
      %dma_start3A_201 = tpu.memref_slice %arg2[%squeeze3A_196, %dma_start3A_200] : memref<1000000x64xf32, #tpu.memory_space<hbm>> -> memref<1x64xf32, #tpu.memory_space<hbm>>
      %dma_start3A_202 = arith.constant 0 : i32
      %dma_start3A_203 = tpu.memref_slice %arg7[%shift_right_arithmetic3A_191, %sub3A_194, %dma_start3A_202] : memref<8x50x64xf32, #tpu.memory_space<vmem>> -> memref<1x1x64xf32, #tpu.memory_space<vmem>>
      %dma_start3A_204 = tpu.memref_squeeze %dma_start3A_203 : memref<1x1x64xf32, #tpu.memory_space<vmem>> -> memref<1x64xf32, #tpu.memory_space<vmem>>
      %dma_start3A_205 = arith.constant 0 : i32
      %dma_start3A_206 = tpu.memref_slice %arg2[%squeeze3A_196, %dma_start3A_205] : memref<1000000x64xf32, #tpu.memory_space<hbm>> -> memref<1x64xf32, #tpu.memory_space<hbm>>
      tpu.enqueue_dma source(%dma_start3A_206 : memref<1x64xf32, #tpu.memory_space<hbm>>) target(%dma_start3A_204 : memref<1x64xf32, #tpu.memory_space<vmem>>) target_semaphore(%arg9 : memref<!tpu.dma_semaphore, #tpu.memory_space<semaphore_mem>>)
      %add3A_207 = arith.constant 9 : i32
      %add3A_208 = arith.addi %add3A_20, %add3A_207 : i32
      %mul3A_209 = arith.constant 5243 : i32
      %mul3A_210 = arith.muli %add3A_208, %mul3A_209 : i32
      %shift_right_arithmetic3A_211 = arith.constant 18 : i32
      %shift_right_arithmetic3A_212 = arith.shrsi %mul3A_210, %shift_right_arithmetic3A_211 : i32
      %mul3A_213 = arith.constant 50 : i32
      %mul3A_214 = arith.muli %shift_right_arithmetic3A_212, %mul3A_213 : i32
      %sub3A_215 = arith.subi %add3A_208, %mul3A_214 : i32
      %slice3A_216 = vector.extract_strided_slice %get3A_22 {offsets = [9], sizes = [1], strides = [1]} : vector<16xi32> to vector<1xi32>
      %squeeze3A_217 = vector.extract %slice3A_216[0] : i32 from vector<1xi32>
      %dma_start3A_218 = arith.constant 0 : i32
      %dma_start3A_219 = tpu.memref_slice %arg7[%shift_right_arithmetic3A_212, %sub3A_215, %dma_start3A_218] : memref<8x50x64xf32, #tpu.memory_space<vmem>> -> memref<1x1x64xf32, #tpu.memory_space<vmem>>
      %dma_start3A_220 = tpu.memref_squeeze %dma_start3A_219 : memref<1x1x64xf32, #tpu.memory_space<vmem>> -> memref<1x64xf32, #tpu.memory_space<vmem>>
      %dma_start3A_221 = arith.constant 0 : i32
      %dma_start3A_222 = tpu.memref_slice %arg2[%squeeze3A_217, %dma_start3A_221] : memref<1000000x64xf32, #tpu.memory_space<hbm>> -> memref<1x64xf32, #tpu.memory_space<hbm>>
      %dma_start3A_223 = arith.constant 0 : i32
      %dma_start3A_224 = tpu.memref_slice %arg7[%shift_right_arithmetic3A_212, %sub3A_215, %dma_start3A_223] : memref<8x50x64xf32, #tpu.memory_space<vmem>> -> memref<1x1x64xf32, #tpu.memory_space<vmem>>
      %dma_start3A_225 = tpu.memref_squeeze %dma_start3A_224 : memref<1x1x64xf32, #tpu.memory_space<vmem>> -> memref<1x64xf32, #tpu.memory_space<vmem>>
      %dma_start3A_226 = arith.constant 0 : i32
      %dma_start3A_227 = tpu.memref_slice %arg2[%squeeze3A_217, %dma_start3A_226] : memref<1000000x64xf32, #tpu.memory_space<hbm>> -> memref<1x64xf32, #tpu.memory_space<hbm>>
      tpu.enqueue_dma source(%dma_start3A_227 : memref<1x64xf32, #tpu.memory_space<hbm>>) target(%dma_start3A_225 : memref<1x64xf32, #tpu.memory_space<vmem>>) target_semaphore(%arg9 : memref<!tpu.dma_semaphore, #tpu.memory_space<semaphore_mem>>)
      %add3A_228 = arith.constant 10 : i32
      %add3A_229 = arith.addi %add3A_20, %add3A_228 : i32
      %mul3A_230 = arith.constant 5243 : i32
      %mul3A_231 = arith.muli %add3A_229, %mul3A_230 : i32
      %shift_right_arithmetic3A_232 = arith.constant 18 : i32
      %shift_right_arithmetic3A_233 = arith.shrsi %mul3A_231, %shift_right_arithmetic3A_232 : i32
      %mul3A_234 = arith.constant 50 : i32
      %mul3A_235 = arith.muli %shift_right_arithmetic3A_233, %mul3A_234 : i32
      %sub3A_236 = arith.subi %add3A_229, %mul3A_235 : i32
      %slice3A_237 = vector.extract_strided_slice %get3A_22 {offsets = [10], sizes = [1], strides = [1]} : vector<16xi32> to vector<1xi32>
      %squeeze3A_238 = vector.extract %slice3A_237[0] : i32 from vector<1xi32>
      %dma_start3A_239 = arith.constant 0 : i32
      %dma_start3A_240 = tpu.memref_slice %arg7[%shift_right_arithmetic3A_233, %sub3A_236, %dma_start3A_239] : memref<8x50x64xf32, #tpu.memory_space<vmem>> -> memref<1x1x64xf32, #tpu.memory_space<vmem>>
      %dma_start3A_241 = tpu.memref_squeeze %dma_start3A_240 : memref<1x1x64xf32, #tpu.memory_space<vmem>> -> memref<1x64xf32, #tpu.memory_space<vmem>>
      %dma_start3A_242 = arith.constant 0 : i32
      %dma_start3A_243 = tpu.memref_slice %arg2[%squeeze3A_238, %dma_start3A_242] : memref<1000000x64xf32, #tpu.memory_space<hbm>> -> memref<1x64xf32, #tpu.memory_space<hbm>>
      %dma_start3A_244 = arith.constant 0 : i32
      %dma_start3A_245 = tpu.memref_slice %arg7[%shift_right_arithmetic3A_233, %sub3A_236, %dma_start3A_244] : memref<8x50x64xf32, #tpu.memory_space<vmem>> -> memref<1x1x64xf32, #tpu.memory_space<vmem>>
      %dma_start3A_246 = tpu.memref_squeeze %dma_start3A_245 : memref<1x1x64xf32, #tpu.memory_space<vmem>> -> memref<1x64xf32, #tpu.memory_space<vmem>>
      %dma_start3A_247 = arith.constant 0 : i32
      %dma_start3A_248 = tpu.memref_slice %arg2[%squeeze3A_238, %dma_start3A_247] : memref<1000000x64xf32, #tpu.memory_space<hbm>> -> memref<1x64xf32, #tpu.memory_space<hbm>>
      tpu.enqueue_dma source(%dma_start3A_248 : memref<1x64xf32, #tpu.memory_space<hbm>>) target(%dma_start3A_246 : memref<1x64xf32, #tpu.memory_space<vmem>>) target_semaphore(%arg9 : memref<!tpu.dma_semaphore, #tpu.memory_space<semaphore_mem>>)
      %add3A_249 = arith.constant 11 : i32
      %add3A_250 = arith.addi %add3A_20, %add3A_249 : i32
      %mul3A_251 = arith.constant 5243 : i32
      %mul3A_252 = arith.muli %add3A_250, %mul3A_251 : i32
      %shift_right_arithmetic3A_253 = arith.constant 18 : i32
      %shift_right_arithmetic3A_254 = arith.shrsi %mul3A_252, %shift_right_arithmetic3A_253 : i32
      %mul3A_255 = arith.constant 50 : i32
      %mul3A_256 = arith.muli %shift_right_arithmetic3A_254, %mul3A_255 : i32
      %sub3A_257 = arith.subi %add3A_250, %mul3A_256 : i32
      %slice3A_258 = vector.extract_strided_slice %get3A_22 {offsets = [11], sizes = [1], strides = [1]} : vector<16xi32> to vector<1xi32>
      %squeeze3A_259 = vector.extract %slice3A_258[0] : i32 from vector<1xi32>
      %dma_start3A_260 = arith.constant 0 : i32
      %dma_start3A_261 = tpu.memref_slice %arg7[%shift_right_arithmetic3A_254, %sub3A_257, %dma_start3A_260] : memref<8x50x64xf32, #tpu.memory_space<vmem>> -> memref<1x1x64xf32, #tpu.memory_space<vmem>>
      %dma_start3A_262 = tpu.memref_squeeze %dma_start3A_261 : memref<1x1x64xf32, #tpu.memory_space<vmem>> -> memref<1x64xf32, #tpu.memory_space<vmem>>
      %dma_start3A_263 = arith.constant 0 : i32
      %dma_start3A_264 = tpu.memref_slice %arg2[%squeeze3A_259, %dma_start3A_263] : memref<1000000x64xf32, #tpu.memory_space<hbm>> -> memref<1x64xf32, #tpu.memory_space<hbm>>
      %dma_start3A_265 = arith.constant 0 : i32
      %dma_start3A_266 = tpu.memref_slice %arg7[%shift_right_arithmetic3A_254, %sub3A_257, %dma_start3A_265] : memref<8x50x64xf32, #tpu.memory_space<vmem>> -> memref<1x1x64xf32, #tpu.memory_space<vmem>>
      %dma_start3A_267 = tpu.memref_squeeze %dma_start3A_266 : memref<1x1x64xf32, #tpu.memory_space<vmem>> -> memref<1x64xf32, #tpu.memory_space<vmem>>
      %dma_start3A_268 = arith.constant 0 : i32
      %dma_start3A_269 = tpu.memref_slice %arg2[%squeeze3A_259, %dma_start3A_268] : memref<1000000x64xf32, #tpu.memory_space<hbm>> -> memref<1x64xf32, #tpu.memory_space<hbm>>
      tpu.enqueue_dma source(%dma_start3A_269 : memref<1x64xf32, #tpu.memory_space<hbm>>) target(%dma_start3A_267 : memref<1x64xf32, #tpu.memory_space<vmem>>) target_semaphore(%arg9 : memref<!tpu.dma_semaphore, #tpu.memory_space<semaphore_mem>>)
      %add3A_270 = arith.constant 12 : i32
      %add3A_271 = arith.addi %add3A_20, %add3A_270 : i32
      %mul3A_272 = arith.constant 5243 : i32
      %mul3A_273 = arith.muli %add3A_271, %mul3A_272 : i32
      %shift_right_arithmetic3A_274 = arith.constant 18 : i32
      %shift_right_arithmetic3A_275 = arith.shrsi %mul3A_273, %shift_right_arithmetic3A_274 : i32
      %mul3A_276 = arith.constant 50 : i32
      %mul3A_277 = arith.muli %shift_right_arithmetic3A_275, %mul3A_276 : i32
      %sub3A_278 = arith.subi %add3A_271, %mul3A_277 : i32
      %slice3A_279 = vector.extract_strided_slice %get3A_22 {offsets = [12], sizes = [1], strides = [1]} : vector<16xi32> to vector<1xi32>
      %squeeze3A_280 = vector.extract %slice3A_279[0] : i32 from vector<1xi32>
      %dma_start3A_281 = arith.constant 0 : i32
      %dma_start3A_282 = tpu.memref_slice %arg7[%shift_right_arithmetic3A_275, %sub3A_278, %dma_start3A_281] : memref<8x50x64xf32, #tpu.memory_space<vmem>> -> memref<1x1x64xf32, #tpu.memory_space<vmem>>
      %dma_start3A_283 = tpu.memref_squeeze %dma_start3A_282 : memref<1x1x64xf32, #tpu.memory_space<vmem>> -> memref<1x64xf32, #tpu.memory_space<vmem>>
      %dma_start3A_284 = arith.constant 0 : i32
      %dma_start3A_285 = tpu.memref_slice %arg2[%squeeze3A_280, %dma_start3A_284] : memref<1000000x64xf32, #tpu.memory_space<hbm>> -> memref<1x64xf32, #tpu.memory_space<hbm>>
      %dma_start3A_286 = arith.constant 0 : i32
      %dma_start3A_287 = tpu.memref_slice %arg7[%shift_right_arithmetic3A_275, %sub3A_278, %dma_start3A_286] : memref<8x50x64xf32, #tpu.memory_space<vmem>> -> memref<1x1x64xf32, #tpu.memory_space<vmem>>
      %dma_start3A_288 = tpu.memref_squeeze %dma_start3A_287 : memref<1x1x64xf32, #tpu.memory_space<vmem>> -> memref<1x64xf32, #tpu.memory_space<vmem>>
      %dma_start3A_289 = arith.constant 0 : i32
      %dma_start3A_290 = tpu.memref_slice %arg2[%squeeze3A_280, %dma_start3A_289] : memref<1000000x64xf32, #tpu.memory_space<hbm>> -> memref<1x64xf32, #tpu.memory_space<hbm>>
      tpu.enqueue_dma source(%dma_start3A_290 : memref<1x64xf32, #tpu.memory_space<hbm>>) target(%dma_start3A_288 : memref<1x64xf32, #tpu.memory_space<vmem>>) target_semaphore(%arg9 : memref<!tpu.dma_semaphore, #tpu.memory_space<semaphore_mem>>)
      %add3A_291 = arith.constant 13 : i32
      %add3A_292 = arith.addi %add3A_20, %add3A_291 : i32
      %mul3A_293 = arith.constant 5243 : i32
      %mul3A_294 = arith.muli %add3A_292, %mul3A_293 : i32
      %shift_right_arithmetic3A_295 = arith.constant 18 : i32
      %shift_right_arithmetic3A_296 = arith.shrsi %mul3A_294, %shift_right_arithmetic3A_295 : i32
      %mul3A_297 = arith.constant 50 : i32
      %mul3A_298 = arith.muli %shift_right_arithmetic3A_296, %mul3A_297 : i32
      %sub3A_299 = arith.subi %add3A_292, %mul3A_298 : i32
      %slice3A_300 = vector.extract_strided_slice %get3A_22 {offsets = [13], sizes = [1], strides = [1]} : vector<16xi32> to vector<1xi32>
      %squeeze3A_301 = vector.extract %slice3A_300[0] : i32 from vector<1xi32>
      %dma_start3A_302 = arith.constant 0 : i32
      %dma_start3A_303 = tpu.memref_slice %arg7[%shift_right_arithmetic3A_296, %sub3A_299, %dma_start3A_302] : memref<8x50x64xf32, #tpu.memory_space<vmem>> -> memref<1x1x64xf32, #tpu.memory_space<vmem>>
      %dma_start3A_304 = tpu.memref_squeeze %dma_start3A_303 : memref<1x1x64xf32, #tpu.memory_space<vmem>> -> memref<1x64xf32, #tpu.memory_space<vmem>>
      %dma_start3A_305 = arith.constant 0 : i32
      %dma_start3A_306 = tpu.memref_slice %arg2[%squeeze3A_301, %dma_start3A_305] : memref<1000000x64xf32, #tpu.memory_space<hbm>> -> memref<1x64xf32, #tpu.memory_space<hbm>>
      %dma_start3A_307 = arith.constant 0 : i32
      %dma_start3A_308 = tpu.memref_slice %arg7[%shift_right_arithmetic3A_296, %sub3A_299, %dma_start3A_307] : memref<8x50x64xf32, #tpu.memory_space<vmem>> -> memref<1x1x64xf32, #tpu.memory_space<vmem>>
      %dma_start3A_309 = tpu.memref_squeeze %dma_start3A_308 : memref<1x1x64xf32, #tpu.memory_space<vmem>> -> memref<1x64xf32, #tpu.memory_space<vmem>>
      %dma_start3A_310 = arith.constant 0 : i32
      %dma_start3A_311 = tpu.memref_slice %arg2[%squeeze3A_301, %dma_start3A_310] : memref<1000000x64xf32, #tpu.memory_space<hbm>> -> memref<1x64xf32, #tpu.memory_space<hbm>>
      tpu.enqueue_dma source(%dma_start3A_311 : memref<1x64xf32, #tpu.memory_space<hbm>>) target(%dma_start3A_309 : memref<1x64xf32, #tpu.memory_space<vmem>>) target_semaphore(%arg9 : memref<!tpu.dma_semaphore, #tpu.memory_space<semaphore_mem>>)
      %add3A_312 = arith.constant 14 : i32
      %add3A_313 = arith.addi %add3A_20, %add3A_312 : i32
      %mul3A_314 = arith.constant 5243 : i32
      %mul3A_315 = arith.muli %add3A_313, %mul3A_314 : i32
      %shift_right_arithmetic3A_316 = arith.constant 18 : i32
      %shift_right_arithmetic3A_317 = arith.shrsi %mul3A_315, %shift_right_arithmetic3A_316 : i32
      %mul3A_318 = arith.constant 50 : i32
      %mul3A_319 = arith.muli %shift_right_arithmetic3A_317, %mul3A_318 : i32
      %sub3A_320 = arith.subi %add3A_313, %mul3A_319 : i32
      %slice3A_321 = vector.extract_strided_slice %get3A_22 {offsets = [14], sizes = [1], strides = [1]} : vector<16xi32> to vector<1xi32>
      %squeeze3A_322 = vector.extract %slice3A_321[0] : i32 from vector<1xi32>
      %dma_start3A_323 = arith.constant 0 : i32
      %dma_start3A_324 = tpu.memref_slice %arg7[%shift_right_arithmetic3A_317, %sub3A_320, %dma_start3A_323] : memref<8x50x64xf32, #tpu.memory_space<vmem>> -> memref<1x1x64xf32, #tpu.memory_space<vmem>>
      %dma_start3A_325 = tpu.memref_squeeze %dma_start3A_324 : memref<1x1x64xf32, #tpu.memory_space<vmem>> -> memref<1x64xf32, #tpu.memory_space<vmem>>
      %dma_start3A_326 = arith.constant 0 : i32
      %dma_start3A_327 = tpu.memref_slice %arg2[%squeeze3A_322, %dma_start3A_326] : memref<1000000x64xf32, #tpu.memory_space<hbm>> -> memref<1x64xf32, #tpu.memory_space<hbm>>
      %dma_start3A_328 = arith.constant 0 : i32
      %dma_start3A_329 = tpu.memref_slice %arg7[%shift_right_arithmetic3A_317, %sub3A_320, %dma_start3A_328] : memref<8x50x64xf32, #tpu.memory_space<vmem>> -> memref<1x1x64xf32, #tpu.memory_space<vmem>>
      %dma_start3A_330 = tpu.memref_squeeze %dma_start3A_329 : memref<1x1x64xf32, #tpu.memory_space<vmem>> -> memref<1x64xf32, #tpu.memory_space<vmem>>
      %dma_start3A_331 = arith.constant 0 : i32
      %dma_start3A_332 = tpu.memref_slice %arg2[%squeeze3A_322, %dma_start3A_331] : memref<1000000x64xf32, #tpu.memory_space<hbm>> -> memref<1x64xf32, #tpu.memory_space<hbm>>
      tpu.enqueue_dma source(%dma_start3A_332 : memref<1x64xf32, #tpu.memory_space<hbm>>) target(%dma_start3A_330 : memref<1x64xf32, #tpu.memory_space<vmem>>) target_semaphore(%arg9 : memref<!tpu.dma_semaphore, #tpu.memory_space<semaphore_mem>>)
      %add3A_333 = arith.constant 15 : i32
      %add3A_334 = arith.addi %add3A_20, %add3A_333 : i32
      %mul3A_335 = arith.constant 5243 : i32
      %mul3A_336 = arith.muli %add3A_334, %mul3A_335 : i32
      %shift_right_arithmetic3A_337 = arith.constant 18 : i32
      %shift_right_arithmetic3A_338 = arith.shrsi %mul3A_336, %shift_right_arithmetic3A_337 : i32
      %mul3A_339 = arith.constant 50 : i32
      %mul3A_340 = arith.muli %shift_right_arithmetic3A_338, %mul3A_339 : i32
      %sub3A_341 = arith.subi %add3A_334, %mul3A_340 : i32
      %slice3A_342 = vector.extract_strided_slice %get3A_22 {offsets = [15], sizes = [1], strides = [1]} : vector<16xi32> to vector<1xi32>
      %squeeze3A_343 = vector.extract %slice3A_342[0] : i32 from vector<1xi32>
      %dma_start3A_344 = arith.constant 0 : i32
      %dma_start3A_345 = tpu.memref_slice %arg7[%shift_right_arithmetic3A_338, %sub3A_341, %dma_start3A_344] : memref<8x50x64xf32, #tpu.memory_space<vmem>> -> memref<1x1x64xf32, #tpu.memory_space<vmem>>
      %dma_start3A_346 = tpu.memref_squeeze %dma_start3A_345 : memref<1x1x64xf32, #tpu.memory_space<vmem>> -> memref<1x64xf32, #tpu.memory_space<vmem>>
      %dma_start3A_347 = arith.constant 0 : i32
      %dma_start3A_348 = tpu.memref_slice %arg2[%squeeze3A_343, %dma_start3A_347] : memref<1000000x64xf32, #tpu.memory_space<hbm>> -> memref<1x64xf32, #tpu.memory_space<hbm>>
      %dma_start3A_349 = arith.constant 0 : i32
      %dma_start3A_350 = tpu.memref_slice %arg7[%shift_right_arithmetic3A_338, %sub3A_341, %dma_start3A_349] : memref<8x50x64xf32, #tpu.memory_space<vmem>> -> memref<1x1x64xf32, #tpu.memory_space<vmem>>
      %dma_start3A_351 = tpu.memref_squeeze %dma_start3A_350 : memref<1x1x64xf32, #tpu.memory_space<vmem>> -> memref<1x64xf32, #tpu.memory_space<vmem>>
      %dma_start3A_352 = arith.constant 0 : i32
      %dma_start3A_353 = tpu.memref_slice %arg2[%squeeze3A_343, %dma_start3A_352] : memref<1000000x64xf32, #tpu.memory_space<hbm>> -> memref<1x64xf32, #tpu.memory_space<hbm>>
      tpu.enqueue_dma source(%dma_start3A_353 : memref<1x64xf32, #tpu.memory_space<hbm>>) target(%dma_start3A_351 : memref<1x64xf32, #tpu.memory_space<vmem>>) target_semaphore(%arg9 : memref<!tpu.dma_semaphore, #tpu.memory_space<semaphore_mem>>)
    }
    %scan3A_10 = arith.constant 25 : i32
    %scan3A_11 = arith.constant 0 : i32
    %scan3A_12 = arith.constant 8 : i32
    %scan3A_13 = arith.addi %scan3A_11, %scan3A_12 : i32
    %scan3A_14 = arith.constant 1 : i32
    scf.for %scan3A_16 = %scan3A_11 to %scan3A_13 step %scan3A_14  : i32 {
      %mul3A_17 = arith.constant 2 : i32
      %mul3A_18 = arith.muli %scan3A_16, %mul3A_17 : i32
      %add3A_19 = arith.constant 0 : i32
      %add3A_20 = arith.addi %add3A_19, %mul3A_18 : i32
      %add3A_21 = arith.constant 1 : i32
      %add3A_22 = arith.addi %add3A_20, %add3A_21 : i32
      %mul3A_23 = arith.constant 400 : i32
      %mul3A_24 = arith.muli %add3A_22, %mul3A_23 : i32
      %add3A_25 = arith.addi %mul3A_2, %mul3A_24 : i32
      "tpu.region"() ({
        %run_scoped3A = tpu.sem_alloc : memref<!tpu.dma_semaphore, #tpu.memory_space<semaphore_mem>>
        %dma_start3A = tpu.memref_slice %arg3[%add3A_25] : memref<204800xi32, #tpu.memory_space<hbm>> -> memref<400xi32, #tpu.memory_space<hbm>>
        %dma_start3A_58 = tpu.memref_slice %arg3[%add3A_25] : memref<204800xi32, #tpu.memory_space<hbm>> -> memref<400xi32, #tpu.memory_space<hbm>>
        tpu.enqueue_dma source(%dma_start3A_58 : memref<400xi32, #tpu.memory_space<hbm>>) target(%arg6 : memref<400xi32, #tpu.memory_space<vmem>>) target_semaphore(%run_scoped3A : memref<!tpu.dma_semaphore, #tpu.memory_space<semaphore_mem>>)
        %dma_wait3A_59 = tpu.memref_slice %arg3[%add3A_25] : memref<204800xi32, #tpu.memory_space<hbm>> -> memref<400xi32, #tpu.memory_space<hbm>>
        %dma_wait3A_60 = tpu.memref_slice %arg3[%add3A_25] : memref<204800xi32, #tpu.memory_space<hbm>> -> memref<400xi32, #tpu.memory_space<hbm>>
        tpu.wait_dma2 semaphore(%run_scoped3A : memref<!tpu.dma_semaphore, #tpu.memory_space<semaphore_mem>>) src(%dma_wait3A_60 : memref<400xi32, #tpu.memory_space<hbm>>) dst(%arg6 : memref<400xi32, #tpu.memory_space<vmem>>)
        tpu.yield
      }) : () -> ()
      %scan3A_26 = arith.constant 0 : i32
      %scan3A_27 = arith.constant 25 : i32
      %scan3A_28 = arith.addi %scan3A_26, %scan3A_27 : i32
      %scan3A_29 = arith.constant 1 : i32
      scf.for %scan3A_58 = %scan3A_26 to %scan3A_28 step %scan3A_29  : i32 {
        %mul3A_59 = arith.constant 16 : i32
        %mul3A_60 = arith.muli %scan3A_58, %mul3A_59 : i32
        %add3A_61 = arith.constant 0 : i32
        %add3A_62 = arith.addi %add3A_61, %mul3A_60 : i32
        %get3A = arith.index_cast %add3A_62 : i32 to index
        %get3A_63 = tpu.vector_load %arg6[%get3A] {strides = array<i32>} : memref<400xi32, #tpu.memory_space<vmem>>, vector<16xi32>,
        %get3A_64 = vector.shape_cast %get3A_63 : vector<16xi32> to vector<16xi32>
        %add3A_65 = arith.constant 0 : i32
        %add3A_66 = arith.addi %add3A_62, %add3A_65 : i32
        %mul3A_67 = arith.constant 5243 : i32
        %mul3A_68 = arith.muli %add3A_66, %mul3A_67 : i32
        %shift_right_arithmetic3A = arith.constant 18 : i32
        %shift_right_arithmetic3A_69 = arith.shrsi %mul3A_68, %shift_right_arithmetic3A : i32
        %mul3A_70 = arith.constant 50 : i32
        %mul3A_71 = arith.muli %shift_right_arithmetic3A_69, %mul3A_70 : i32
        %sub3A = arith.subi %add3A_66, %mul3A_71 : i32
        %slice3A = vector.extract_strided_slice %get3A_64 {offsets = [0], sizes = [1], strides = [1]} : vector<16xi32> to vector<1xi32>
        %squeeze3A = vector.extract %slice3A[0] : i32 from vector<1xi32>
        %dma_start3A = arith.constant 0 : i32
        %dma_start3A_72 = tpu.memref_slice %arg8[%shift_right_arithmetic3A_69, %sub3A, %dma_start3A] : memref<8x50x64xf32, #tpu.memory_space<vmem>> -> memref<1x1x64xf32, #tpu.memory_space<vmem>>
        %dma_start3A_73 = tpu.memref_squeeze %dma_start3A_72 : memref<1x1x64xf32, #tpu.memory_space<vmem>> -> memref<1x64xf32, #tpu.memory_space<vmem>>
        %dma_start3A_74 = arith.constant 0 : i32
        %dma_start3A_75 = tpu.memref_slice %arg2[%squeeze3A, %dma_start3A_74] : memref<1000000x64xf32, #tpu.memory_space<hbm>> -> memref<1x64xf32, #tpu.memory_space<hbm>>
        %dma_start3A_76 = arith.constant 0 : i32
        %dma_start3A_77 = tpu.memref_slice %arg8[%shift_right_arithmetic3A_69, %sub3A, %dma_start3A_76] : memref<8x50x64xf32, #tpu.memory_space<vmem>> -> memref<1x1x64xf32, #tpu.memory_space<vmem>>
        %dma_start3A_78 = tpu.memref_squeeze %dma_start3A_77 : memref<1x1x64xf32, #tpu.memory_space<vmem>> -> memref<1x64xf32, #tpu.memory_space<vmem>>
        %dma_start3A_79 = arith.constant 0 : i32
        %dma_start3A_80 = tpu.memref_slice %arg2[%squeeze3A, %dma_start3A_79] : memref<1000000x64xf32, #tpu.memory_space<hbm>> -> memref<1x64xf32, #tpu.memory_space<hbm>>
        tpu.enqueue_dma source(%dma_start3A_80 : memref<1x64xf32, #tpu.memory_space<hbm>>) target(%dma_start3A_78 : memref<1x64xf32, #tpu.memory_space<vmem>>) target_semaphore(%arg10 : memref<!tpu.dma_semaphore, #tpu.memory_space<semaphore_mem>>)
        %add3A_81 = arith.constant 1 : i32
        %add3A_82 = arith.addi %add3A_62, %add3A_81 : i32
        %mul3A_83 = arith.constant 5243 : i32
        %mul3A_84 = arith.muli %add3A_82, %mul3A_83 : i32
        %shift_right_arithmetic3A_85 = arith.constant 18 : i32
        %shift_right_arithmetic3A_86 = arith.shrsi %mul3A_84, %shift_right_arithmetic3A_85 : i32
        %mul3A_87 = arith.constant 50 : i32
        %mul3A_88 = arith.muli %shift_right_arithmetic3A_86, %mul3A_87 : i32
        %sub3A_89 = arith.subi %add3A_82, %mul3A_88 : i32
        %slice3A_90 = vector.extract_strided_slice %get3A_64 {offsets = [1], sizes = [1], strides = [1]} : vector<16xi32> to vector<1xi32>
        %squeeze3A_91 = vector.extract %slice3A_90[0] : i32 from vector<1xi32>
        %dma_start3A_92 = arith.constant 0 : i32
        %dma_start3A_93 = tpu.memref_slice %arg8[%shift_right_arithmetic3A_86, %sub3A_89, %dma_start3A_92] : memref<8x50x64xf32, #tpu.memory_space<vmem>> -> memref<1x1x64xf32, #tpu.memory_space<vmem>>
        %dma_start3A_94 = tpu.memref_squeeze %dma_start3A_93 : memref<1x1x64xf32, #tpu.memory_space<vmem>> -> memref<1x64xf32, #tpu.memory_space<vmem>>
        %dma_start3A_95 = arith.constant 0 : i32
        %dma_start3A_96 = tpu.memref_slice %arg2[%squeeze3A_91, %dma_start3A_95] : memref<1000000x64xf32, #tpu.memory_space<hbm>> -> memref<1x64xf32, #tpu.memory_space<hbm>>
        %dma_start3A_97 = arith.constant 0 : i32
        %dma_start3A_98 = tpu.memref_slice %arg8[%shift_right_arithmetic3A_86, %sub3A_89, %dma_start3A_97] : memref<8x50x64xf32, #tpu.memory_space<vmem>> -> memref<1x1x64xf32, #tpu.memory_space<vmem>>
        %dma_start3A_99 = tpu.memref_squeeze %dma_start3A_98 : memref<1x1x64xf32, #tpu.memory_space<vmem>> -> memref<1x64xf32, #tpu.memory_space<vmem>>
        %dma_start3A_100 = arith.constant 0 : i32
        %dma_start3A_101 = tpu.memref_slice %arg2[%squeeze3A_91, %dma_start3A_100] : memref<1000000x64xf32, #tpu.memory_space<hbm>> -> memref<1x64xf32, #tpu.memory_space<hbm>>
        tpu.enqueue_dma source(%dma_start3A_101 : memref<1x64xf32, #tpu.memory_space<hbm>>) target(%dma_start3A_99 : memref<1x64xf32, #tpu.memory_space<vmem>>) target_semaphore(%arg10 : memref<!tpu.dma_semaphore, #tpu.memory_space<semaphore_mem>>)
        %add3A_102 = arith.constant 2 : i32
        %add3A_103 = arith.addi %add3A_62, %add3A_102 : i32
        %mul3A_104 = arith.constant 5243 : i32
        %mul3A_105 = arith.muli %add3A_103, %mul3A_104 : i32
        %shift_right_arithmetic3A_106 = arith.constant 18 : i32
        %shift_right_arithmetic3A_107 = arith.shrsi %mul3A_105, %shift_right_arithmetic3A_106 : i32
        %mul3A_108 = arith.constant 50 : i32
        %mul3A_109 = arith.muli %shift_right_arithmetic3A_107, %mul3A_108 : i32
        %sub3A_110 = arith.subi %add3A_103, %mul3A_109 : i32
        %slice3A_111 = vector.extract_strided_slice %get3A_64 {offsets = [2], sizes = [1], strides = [1]} : vector<16xi32> to vector<1xi32>
        %squeeze3A_112 = vector.extract %slice3A_111[0] : i32 from vector<1xi32>
        %dma_start3A_113 = arith.constant 0 : i32
        %dma_start3A_114 = tpu.memref_slice %arg8[%shift_right_arithmetic3A_107, %sub3A_110, %dma_start3A_113] : memref<8x50x64xf32, #tpu.memory_space<vmem>> -> memref<1x1x64xf32, #tpu.memory_space<vmem>>
        %dma_start3A_115 = tpu.memref_squeeze %dma_start3A_114 : memref<1x1x64xf32, #tpu.memory_space<vmem>> -> memref<1x64xf32, #tpu.memory_space<vmem>>
        %dma_start3A_116 = arith.constant 0 : i32
        %dma_start3A_117 = tpu.memref_slice %arg2[%squeeze3A_112, %dma_start3A_116] : memref<1000000x64xf32, #tpu.memory_space<hbm>> -> memref<1x64xf32, #tpu.memory_space<hbm>>
        %dma_start3A_118 = arith.constant 0 : i32
        %dma_start3A_119 = tpu.memref_slice %arg8[%shift_right_arithmetic3A_107, %sub3A_110, %dma_start3A_118] : memref<8x50x64xf32, #tpu.memory_space<vmem>> -> memref<1x1x64xf32, #tpu.memory_space<vmem>>
        %dma_start3A_120 = tpu.memref_squeeze %dma_start3A_119 : memref<1x1x64xf32, #tpu.memory_space<vmem>> -> memref<1x64xf32, #tpu.memory_space<vmem>>
        %dma_start3A_121 = arith.constant 0 : i32
        %dma_start3A_122 = tpu.memref_slice %arg2[%squeeze3A_112, %dma_start3A_121] : memref<1000000x64xf32, #tpu.memory_space<hbm>> -> memref<1x64xf32, #tpu.memory_space<hbm>>
        tpu.enqueue_dma source(%dma_start3A_122 : memref<1x64xf32, #tpu.memory_space<hbm>>) target(%dma_start3A_120 : memref<1x64xf32, #tpu.memory_space<vmem>>) target_semaphore(%arg10 : memref<!tpu.dma_semaphore, #tpu.memory_space<semaphore_mem>>)
        %add3A_123 = arith.constant 3 : i32
        %add3A_124 = arith.addi %add3A_62, %add3A_123 : i32
        %mul3A_125 = arith.constant 5243 : i32
        %mul3A_126 = arith.muli %add3A_124, %mul3A_125 : i32
        %shift_right_arithmetic3A_127 = arith.constant 18 : i32
        %shift_right_arithmetic3A_128 = arith.shrsi %mul3A_126, %shift_right_arithmetic3A_127 : i32
        %mul3A_129 = arith.constant 50 : i32
        %mul3A_130 = arith.muli %shift_right_arithmetic3A_128, %mul3A_129 : i32
        %sub3A_131 = arith.subi %add3A_124, %mul3A_130 : i32
        %slice3A_132 = vector.extract_strided_slice %get3A_64 {offsets = [3], sizes = [1], strides = [1]} : vector<16xi32> to vector<1xi32>
        %squeeze3A_133 = vector.extract %slice3A_132[0] : i32 from vector<1xi32>
        %dma_start3A_134 = arith.constant 0 : i32
        %dma_start3A_135 = tpu.memref_slice %arg8[%shift_right_arithmetic3A_128, %sub3A_131, %dma_start3A_134] : memref<8x50x64xf32, #tpu.memory_space<vmem>> -> memref<1x1x64xf32, #tpu.memory_space<vmem>>
        %dma_start3A_136 = tpu.memref_squeeze %dma_start3A_135 : memref<1x1x64xf32, #tpu.memory_space<vmem>> -> memref<1x64xf32, #tpu.memory_space<vmem>>
        %dma_start3A_137 = arith.constant 0 : i32
        %dma_start3A_138 = tpu.memref_slice %arg2[%squeeze3A_133, %dma_start3A_137] : memref<1000000x64xf32, #tpu.memory_space<hbm>> -> memref<1x64xf32, #tpu.memory_space<hbm>>
        %dma_start3A_139 = arith.constant 0 : i32
        %dma_start3A_140 = tpu.memref_slice %arg8[%shift_right_arithmetic3A_128, %sub3A_131, %dma_start3A_139] : memref<8x50x64xf32, #tpu.memory_space<vmem>> -> memref<1x1x64xf32, #tpu.memory_space<vmem>>
        %dma_start3A_141 = tpu.memref_squeeze %dma_start3A_140 : memref<1x1x64xf32, #tpu.memory_space<vmem>> -> memref<1x64xf32, #tpu.memory_space<vmem>>
        %dma_start3A_142 = arith.constant 0 : i32
        %dma_start3A_143 = tpu.memref_slice %arg2[%squeeze3A_133, %dma_start3A_142] : memref<1000000x64xf32, #tpu.memory_space<hbm>> -> memref<1x64xf32, #tpu.memory_space<hbm>>
        tpu.enqueue_dma source(%dma_start3A_143 : memref<1x64xf32, #tpu.memory_space<hbm>>) target(%dma_start3A_141 : memref<1x64xf32, #tpu.memory_space<vmem>>) target_semaphore(%arg10 : memref<!tpu.dma_semaphore, #tpu.memory_space<semaphore_mem>>)
        %add3A_144 = arith.constant 4 : i32
        %add3A_145 = arith.addi %add3A_62, %add3A_144 : i32
        %mul3A_146 = arith.constant 5243 : i32
        %mul3A_147 = arith.muli %add3A_145, %mul3A_146 : i32
        %shift_right_arithmetic3A_148 = arith.constant 18 : i32
        %shift_right_arithmetic3A_149 = arith.shrsi %mul3A_147, %shift_right_arithmetic3A_148 : i32
        %mul3A_150 = arith.constant 50 : i32
        %mul3A_151 = arith.muli %shift_right_arithmetic3A_149, %mul3A_150 : i32
        %sub3A_152 = arith.subi %add3A_145, %mul3A_151 : i32
        %slice3A_153 = vector.extract_strided_slice %get3A_64 {offsets = [4], sizes = [1], strides = [1]} : vector<16xi32> to vector<1xi32>
        %squeeze3A_154 = vector.extract %slice3A_153[0] : i32 from vector<1xi32>
        %dma_start3A_155 = arith.constant 0 : i32
        %dma_start3A_156 = tpu.memref_slice %arg8[%shift_right_arithmetic3A_149, %sub3A_152, %dma_start3A_155] : memref<8x50x64xf32, #tpu.memory_space<vmem>> -> memref<1x1x64xf32, #tpu.memory_space<vmem>>
        %dma_start3A_157 = tpu.memref_squeeze %dma_start3A_156 : memref<1x1x64xf32, #tpu.memory_space<vmem>> -> memref<1x64xf32, #tpu.memory_space<vmem>>
        %dma_start3A_158 = arith.constant 0 : i32
        %dma_start3A_159 = tpu.memref_slice %arg2[%squeeze3A_154, %dma_start3A_158] : memref<1000000x64xf32, #tpu.memory_space<hbm>> -> memref<1x64xf32, #tpu.memory_space<hbm>>
        %dma_start3A_160 = arith.constant 0 : i32
        %dma_start3A_161 = tpu.memref_slice %arg8[%shift_right_arithmetic3A_149, %sub3A_152, %dma_start3A_160] : memref<8x50x64xf32, #tpu.memory_space<vmem>> -> memref<1x1x64xf32, #tpu.memory_space<vmem>>
        %dma_start3A_162 = tpu.memref_squeeze %dma_start3A_161 : memref<1x1x64xf32, #tpu.memory_space<vmem>> -> memref<1x64xf32, #tpu.memory_space<vmem>>
        %dma_start3A_163 = arith.constant 0 : i32
        %dma_start3A_164 = tpu.memref_slice %arg2[%squeeze3A_154, %dma_start3A_163] : memref<1000000x64xf32, #tpu.memory_space<hbm>> -> memref<1x64xf32, #tpu.memory_space<hbm>>
        tpu.enqueue_dma source(%dma_start3A_164 : memref<1x64xf32, #tpu.memory_space<hbm>>) target(%dma_start3A_162 : memref<1x64xf32, #tpu.memory_space<vmem>>) target_semaphore(%arg10 : memref<!tpu.dma_semaphore, #tpu.memory_space<semaphore_mem>>)
        %add3A_165 = arith.constant 5 : i32
        %add3A_166 = arith.addi %add3A_62, %add3A_165 : i32
        %mul3A_167 = arith.constant 5243 : i32
        %mul3A_168 = arith.muli %add3A_166, %mul3A_167 : i32
        %shift_right_arithmetic3A_169 = arith.constant 18 : i32
        %shift_right_arithmetic3A_170 = arith.shrsi %mul3A_168, %shift_right_arithmetic3A_169 : i32
        %mul3A_171 = arith.constant 50 : i32
        %mul3A_172 = arith.muli %shift_right_arithmetic3A_170, %mul3A_171 : i32
        %sub3A_173 = arith.subi %add3A_166, %mul3A_172 : i32
        %slice3A_174 = vector.extract_strided_slice %get3A_64 {offsets = [5], sizes = [1], strides = [1]} : vector<16xi32> to vector<1xi32>
        %squeeze3A_175 = vector.extract %slice3A_174[0] : i32 from vector<1xi32>
        %dma_start3A_176 = arith.constant 0 : i32
        %dma_start3A_177 = tpu.memref_slice %arg8[%shift_right_arithmetic3A_170, %sub3A_173, %dma_start3A_176] : memref<8x50x64xf32, #tpu.memory_space<vmem>> -> memref<1x1x64xf32, #tpu.memory_space<vmem>>
        %dma_start3A_178 = tpu.memref_squeeze %dma_start3A_177 : memref<1x1x64xf32, #tpu.memory_space<vmem>> -> memref<1x64xf32, #tpu.memory_space<vmem>>
        %dma_start3A_179 = arith.constant 0 : i32
        %dma_start3A_180 = tpu.memref_slice %arg2[%squeeze3A_175, %dma_start3A_179] : memref<1000000x64xf32, #tpu.memory_space<hbm>> -> memref<1x64xf32, #tpu.memory_space<hbm>>
        %dma_start3A_181 = arith.constant 0 : i32
        %dma_start3A_182 = tpu.memref_slice %arg8[%shift_right_arithmetic3A_170, %sub3A_173, %dma_start3A_181] : memref<8x50x64xf32, #tpu.memory_space<vmem>> -> memref<1x1x64xf32, #tpu.memory_space<vmem>>
        %dma_start3A_183 = tpu.memref_squeeze %dma_start3A_182 : memref<1x1x64xf32, #tpu.memory_space<vmem>> -> memref<1x64xf32, #tpu.memory_space<vmem>>
        %dma_start3A_184 = arith.constant 0 : i32
        %dma_start3A_185 = tpu.memref_slice %arg2[%squeeze3A_175, %dma_start3A_184] : memref<1000000x64xf32, #tpu.memory_space<hbm>> -> memref<1x64xf32, #tpu.memory_space<hbm>>
        tpu.enqueue_dma source(%dma_start3A_185 : memref<1x64xf32, #tpu.memory_space<hbm>>) target(%dma_start3A_183 : memref<1x64xf32, #tpu.memory_space<vmem>>) target_semaphore(%arg10 : memref<!tpu.dma_semaphore, #tpu.memory_space<semaphore_mem>>)
        %add3A_186 = arith.constant 6 : i32
        %add3A_187 = arith.addi %add3A_62, %add3A_186 : i32
        %mul3A_188 = arith.constant 5243 : i32
        %mul3A_189 = arith.muli %add3A_187, %mul3A_188 : i32
        %shift_right_arithmetic3A_190 = arith.constant 18 : i32
        %shift_right_arithmetic3A_191 = arith.shrsi %mul3A_189, %shift_right_arithmetic3A_190 : i32
        %mul3A_192 = arith.constant 50 : i32
        %mul3A_193 = arith.muli %shift_right_arithmetic3A_191, %mul3A_192 : i32
        %sub3A_194 = arith.subi %add3A_187, %mul3A_193 : i32
        %slice3A_195 = vector.extract_strided_slice %get3A_64 {offsets = [6], sizes = [1], strides = [1]} : vector<16xi32> to vector<1xi32>
        %squeeze3A_196 = vector.extract %slice3A_195[0] : i32 from vector<1xi32>
        %dma_start3A_197 = arith.constant 0 : i32
        %dma_start3A_198 = tpu.memref_slice %arg8[%shift_right_arithmetic3A_191, %sub3A_194, %dma_start3A_197] : memref<8x50x64xf32, #tpu.memory_space<vmem>> -> memref<1x1x64xf32, #tpu.memory_space<vmem>>
        %dma_start3A_199 = tpu.memref_squeeze %dma_start3A_198 : memref<1x1x64xf32, #tpu.memory_space<vmem>> -> memref<1x64xf32, #tpu.memory_space<vmem>>
        %dma_start3A_200 = arith.constant 0 : i32
        %dma_start3A_201 = tpu.memref_slice %arg2[%squeeze3A_196, %dma_start3A_200] : memref<1000000x64xf32, #tpu.memory_space<hbm>> -> memref<1x64xf32, #tpu.memory_space<hbm>>
        %dma_start3A_202 = arith.constant 0 : i32
        %dma_start3A_203 = tpu.memref_slice %arg8[%shift_right_arithmetic3A_191, %sub3A_194, %dma_start3A_202] : memref<8x50x64xf32, #tpu.memory_space<vmem>> -> memref<1x1x64xf32, #tpu.memory_space<vmem>>
        %dma_start3A_204 = tpu.memref_squeeze %dma_start3A_203 : memref<1x1x64xf32, #tpu.memory_space<vmem>> -> memref<1x64xf32, #tpu.memory_space<vmem>>
        %dma_start3A_205 = arith.constant 0 : i32
        %dma_start3A_206 = tpu.memref_slice %arg2[%squeeze3A_196, %dma_start3A_205] : memref<1000000x64xf32, #tpu.memory_space<hbm>> -> memref<1x64xf32, #tpu.memory_space<hbm>>
        tpu.enqueue_dma source(%dma_start3A_206 : memref<1x64xf32, #tpu.memory_space<hbm>>) target(%dma_start3A_204 : memref<1x64xf32, #tpu.memory_space<vmem>>) target_semaphore(%arg10 : memref<!tpu.dma_semaphore, #tpu.memory_space<semaphore_mem>>)
        %add3A_207 = arith.constant 7 : i32
        %add3A_208 = arith.addi %add3A_62, %add3A_207 : i32
        %mul3A_209 = arith.constant 5243 : i32
        %mul3A_210 = arith.muli %add3A_208, %mul3A_209 : i32
        %shift_right_arithmetic3A_211 = arith.constant 18 : i32
        %shift_right_arithmetic3A_212 = arith.shrsi %mul3A_210, %shift_right_arithmetic3A_211 : i32
        %mul3A_213 = arith.constant 50 : i32
        %mul3A_214 = arith.muli %shift_right_arithmetic3A_212, %mul3A_213 : i32
        %sub3A_215 = arith.subi %add3A_208, %mul3A_214 : i32
        %slice3A_216 = vector.extract_strided_slice %get3A_64 {offsets = [7], sizes = [1], strides = [1]} : vector<16xi32> to vector<1xi32>
        %squeeze3A_217 = vector.extract %slice3A_216[0] : i32 from vector<1xi32>
        %dma_start3A_218 = arith.constant 0 : i32
        %dma_start3A_219 = tpu.memref_slice %arg8[%shift_right_arithmetic3A_212, %sub3A_215, %dma_start3A_218] : memref<8x50x64xf32, #tpu.memory_space<vmem>> -> memref<1x1x64xf32, #tpu.memory_space<vmem>>
        %dma_start3A_220 = tpu.memref_squeeze %dma_start3A_219 : memref<1x1x64xf32, #tpu.memory_space<vmem>> -> memref<1x64xf32, #tpu.memory_space<vmem>>
        %dma_start3A_221 = arith.constant 0 : i32
        %dma_start3A_222 = tpu.memref_slice %arg2[%squeeze3A_217, %dma_start3A_221] : memref<1000000x64xf32, #tpu.memory_space<hbm>> -> memref<1x64xf32, #tpu.memory_space<hbm>>
        %dma_start3A_223 = arith.constant 0 : i32
        %dma_start3A_224 = tpu.memref_slice %arg8[%shift_right_arithmetic3A_212, %sub3A_215, %dma_start3A_223] : memref<8x50x64xf32, #tpu.memory_space<vmem>> -> memref<1x1x64xf32, #tpu.memory_space<vmem>>
        %dma_start3A_225 = tpu.memref_squeeze %dma_start3A_224 : memref<1x1x64xf32, #tpu.memory_space<vmem>> -> memref<1x64xf32, #tpu.memory_space<vmem>>
        %dma_start3A_226 = arith.constant 0 : i32
        %dma_start3A_227 = tpu.memref_slice %arg2[%squeeze3A_217, %dma_start3A_226] : memref<1000000x64xf32, #tpu.memory_space<hbm>> -> memref<1x64xf32, #tpu.memory_space<hbm>>
        tpu.enqueue_dma source(%dma_start3A_227 : memref<1x64xf32, #tpu.memory_space<hbm>>) target(%dma_start3A_225 : memref<1x64xf32, #tpu.memory_space<vmem>>) target_semaphore(%arg10 : memref<!tpu.dma_semaphore, #tpu.memory_space<semaphore_mem>>)
        %add3A_228 = arith.constant 8 : i32
        %add3A_229 = arith.addi %add3A_62, %add3A_228 : i32
        %mul3A_230 = arith.constant 5243 : i32
        %mul3A_231 = arith.muli %add3A_229, %mul3A_230 : i32
        %shift_right_arithmetic3A_232 = arith.constant 18 : i32
        %shift_right_arithmetic3A_233 = arith.shrsi %mul3A_231, %shift_right_arithmetic3A_232 : i32
        %mul3A_234 = arith.constant 50 : i32
        %mul3A_235 = arith.muli %shift_right_arithmetic3A_233, %mul3A_234 : i32
        %sub3A_236 = arith.subi %add3A_229, %mul3A_235 : i32
        %slice3A_237 = vector.extract_strided_slice %get3A_64 {offsets = [8], sizes = [1], strides = [1]} : vector<16xi32> to vector<1xi32>
        %squeeze3A_238 = vector.extract %slice3A_237[0] : i32 from vector<1xi32>
        %dma_start3A_239 = arith.constant 0 : i32
        %dma_start3A_240 = tpu.memref_slice %arg8[%shift_right_arithmetic3A_233, %sub3A_236, %dma_start3A_239] : memref<8x50x64xf32, #tpu.memory_space<vmem>> -> memref<1x1x64xf32, #tpu.memory_space<vmem>>
        %dma_start3A_241 = tpu.memref_squeeze %dma_start3A_240 : memref<1x1x64xf32, #tpu.memory_space<vmem>> -> memref<1x64xf32, #tpu.memory_space<vmem>>
        %dma_start3A_242 = arith.constant 0 : i32
        %dma_start3A_243 = tpu.memref_slice %arg2[%squeeze3A_238, %dma_start3A_242] : memref<1000000x64xf32, #tpu.memory_space<hbm>> -> memref<1x64xf32, #tpu.memory_space<hbm>>
        %dma_start3A_244 = arith.constant 0 : i32
        %dma_start3A_245 = tpu.memref_slice %arg8[%shift_right_arithmetic3A_233, %sub3A_236, %dma_start3A_244] : memref<8x50x64xf32, #tpu.memory_space<vmem>> -> memref<1x1x64xf32, #tpu.memory_space<vmem>>
        %dma_start3A_246 = tpu.memref_squeeze %dma_start3A_245 : memref<1x1x64xf32, #tpu.memory_space<vmem>> -> memref<1x64xf32, #tpu.memory_space<vmem>>
        %dma_start3A_247 = arith.constant 0 : i32
        %dma_start3A_248 = tpu.memref_slice %arg2[%squeeze3A_238, %dma_start3A_247] : memref<1000000x64xf32, #tpu.memory_space<hbm>> -> memref<1x64xf32, #tpu.memory_space<hbm>>
        tpu.enqueue_dma source(%dma_start3A_248 : memref<1x64xf32, #tpu.memory_space<hbm>>) target(%dma_start3A_246 : memref<1x64xf32, #tpu.memory_space<vmem>>) target_semaphore(%arg10 : memref<!tpu.dma_semaphore, #tpu.memory_space<semaphore_mem>>)
        %add3A_249 = arith.constant 9 : i32
        %add3A_250 = arith.addi %add3A_62, %add3A_249 : i32
        %mul3A_251 = arith.constant 5243 : i32
        %mul3A_252 = arith.muli %add3A_250, %mul3A_251 : i32
        %shift_right_arithmetic3A_253 = arith.constant 18 : i32
        %shift_right_arithmetic3A_254 = arith.shrsi %mul3A_252, %shift_right_arithmetic3A_253 : i32
        %mul3A_255 = arith.constant 50 : i32
        %mul3A_256 = arith.muli %shift_right_arithmetic3A_254, %mul3A_255 : i32
        %sub3A_257 = arith.subi %add3A_250, %mul3A_256 : i32
        %slice3A_258 = vector.extract_strided_slice %get3A_64 {offsets = [9], sizes = [1], strides = [1]} : vector<16xi32> to vector<1xi32>
        %squeeze3A_259 = vector.extract %slice3A_258[0] : i32 from vector<1xi32>
        %dma_start3A_260 = arith.constant 0 : i32
        %dma_start3A_261 = tpu.memref_slice %arg8[%shift_right_arithmetic3A_254, %sub3A_257, %dma_start3A_260] : memref<8x50x64xf32, #tpu.memory_space<vmem>> -> memref<1x1x64xf32, #tpu.memory_space<vmem>>
        %dma_start3A_262 = tpu.memref_squeeze %dma_start3A_261 : memref<1x1x64xf32, #tpu.memory_space<vmem>> -> memref<1x64xf32, #tpu.memory_space<vmem>>
        %dma_start3A_263 = arith.constant 0 : i32
        %dma_start3A_264 = tpu.memref_slice %arg2[%squeeze3A_259, %dma_start3A_263] : memref<1000000x64xf32, #tpu.memory_space<hbm>> -> memref<1x64xf32, #tpu.memory_space<hbm>>
        %dma_start3A_265 = arith.constant 0 : i32
        %dma_start3A_266 = tpu.memref_slice %arg8[%shift_right_arithmetic3A_254, %sub3A_257, %dma_start3A_265] : memref<8x50x64xf32, #tpu.memory_space<vmem>> -> memref<1x1x64xf32, #tpu.memory_space<vmem>>
        %dma_start3A_267 = tpu.memref_squeeze %dma_start3A_266 : memref<1x1x64xf32, #tpu.memory_space<vmem>> -> memref<1x64xf32, #tpu.memory_space<vmem>>
        %dma_start3A_268 = arith.constant 0 : i32
        %dma_start3A_269 = tpu.memref_slice %arg2[%squeeze3A_259, %dma_start3A_268] : memref<1000000x64xf32, #tpu.memory_space<hbm>> -> memref<1x64xf32, #tpu.memory_space<hbm>>
        tpu.enqueue_dma source(%dma_start3A_269 : memref<1x64xf32, #tpu.memory_space<hbm>>) target(%dma_start3A_267 : memref<1x64xf32, #tpu.memory_space<vmem>>) target_semaphore(%arg10 : memref<!tpu.dma_semaphore, #tpu.memory_space<semaphore_mem>>)
        %add3A_270 = arith.constant 10 : i32
        %add3A_271 = arith.addi %add3A_62, %add3A_270 : i32
        %mul3A_272 = arith.constant 5243 : i32
        %mul3A_273 = arith.muli %add3A_271, %mul3A_272 : i32
        %shift_right_arithmetic3A_274 = arith.constant 18 : i32
        %shift_right_arithmetic3A_275 = arith.shrsi %mul3A_273, %shift_right_arithmetic3A_274 : i32
        %mul3A_276 = arith.constant 50 : i32
        %mul3A_277 = arith.muli %shift_right_arithmetic3A_275, %mul3A_276 : i32
        %sub3A_278 = arith.subi %add3A_271, %mul3A_277 : i32
        %slice3A_279 = vector.extract_strided_slice %get3A_64 {offsets = [10], sizes = [1], strides = [1]} : vector<16xi32> to vector<1xi32>
        %squeeze3A_280 = vector.extract %slice3A_279[0] : i32 from vector<1xi32>
        %dma_start3A_281 = arith.constant 0 : i32
        %dma_start3A_282 = tpu.memref_slice %arg8[%shift_right_arithmetic3A_275, %sub3A_278, %dma_start3A_281] : memref<8x50x64xf32, #tpu.memory_space<vmem>> -> memref<1x1x64xf32, #tpu.memory_space<vmem>>
        %dma_start3A_283 = tpu.memref_squeeze %dma_start3A_282 : memref<1x1x64xf32, #tpu.memory_space<vmem>> -> memref<1x64xf32, #tpu.memory_space<vmem>>
        %dma_start3A_284 = arith.constant 0 : i32
        %dma_start3A_285 = tpu.memref_slice %arg2[%squeeze3A_280, %dma_start3A_284] : memref<1000000x64xf32, #tpu.memory_space<hbm>> -> memref<1x64xf32, #tpu.memory_space<hbm>>
        %dma_start3A_286 = arith.constant 0 : i32
        %dma_start3A_287 = tpu.memref_slice %arg8[%shift_right_arithmetic3A_275, %sub3A_278, %dma_start3A_286] : memref<8x50x64xf32, #tpu.memory_space<vmem>> -> memref<1x1x64xf32, #tpu.memory_space<vmem>>
        %dma_start3A_288 = tpu.memref_squeeze %dma_start3A_287 : memref<1x1x64xf32, #tpu.memory_space<vmem>> -> memref<1x64xf32, #tpu.memory_space<vmem>>
        %dma_start3A_289 = arith.constant 0 : i32
        %dma_start3A_290 = tpu.memref_slice %arg2[%squeeze3A_280, %dma_start3A_289] : memref<1000000x64xf32, #tpu.memory_space<hbm>> -> memref<1x64xf32, #tpu.memory_space<hbm>>
        tpu.enqueue_dma source(%dma_start3A_290 : memref<1x64xf32, #tpu.memory_space<hbm>>) target(%dma_start3A_288 : memref<1x64xf32, #tpu.memory_space<vmem>>) target_semaphore(%arg10 : memref<!tpu.dma_semaphore, #tpu.memory_space<semaphore_mem>>)
        %add3A_291 = arith.constant 11 : i32
        %add3A_292 = arith.addi %add3A_62, %add3A_291 : i32
        %mul3A_293 = arith.constant 5243 : i32
        %mul3A_294 = arith.muli %add3A_292, %mul3A_293 : i32
        %shift_right_arithmetic3A_295 = arith.constant 18 : i32
        %shift_right_arithmetic3A_296 = arith.shrsi %mul3A_294, %shift_right_arithmetic3A_295 : i32
        %mul3A_297 = arith.constant 50 : i32
        %mul3A_298 = arith.muli %shift_right_arithmetic3A_296, %mul3A_297 : i32
        %sub3A_299 = arith.subi %add3A_292, %mul3A_298 : i32
        %slice3A_300 = vector.extract_strided_slice %get3A_64 {offsets = [11], sizes = [1], strides = [1]} : vector<16xi32> to vector<1xi32>
        %squeeze3A_301 = vector.extract %slice3A_300[0] : i32 from vector<1xi32>
        %dma_start3A_302 = arith.constant 0 : i32
        %dma_start3A_303 = tpu.memref_slice %arg8[%shift_right_arithmetic3A_296, %sub3A_299, %dma_start3A_302] : memref<8x50x64xf32, #tpu.memory_space<vmem>> -> memref<1x1x64xf32, #tpu.memory_space<vmem>>
        %dma_start3A_304 = tpu.memref_squeeze %dma_start3A_303 : memref<1x1x64xf32, #tpu.memory_space<vmem>> -> memref<1x64xf32, #tpu.memory_space<vmem>>
        %dma_start3A_305 = arith.constant 0 : i32
        %dma_start3A_306 = tpu.memref_slice %arg2[%squeeze3A_301, %dma_start3A_305] : memref<1000000x64xf32, #tpu.memory_space<hbm>> -> memref<1x64xf32, #tpu.memory_space<hbm>>
        %dma_start3A_307 = arith.constant 0 : i32
        %dma_start3A_308 = tpu.memref_slice %arg8[%shift_right_arithmetic3A_296, %sub3A_299, %dma_start3A_307] : memref<8x50x64xf32, #tpu.memory_space<vmem>> -> memref<1x1x64xf32, #tpu.memory_space<vmem>>
        %dma_start3A_309 = tpu.memref_squeeze %dma_start3A_308 : memref<1x1x64xf32, #tpu.memory_space<vmem>> -> memref<1x64xf32, #tpu.memory_space<vmem>>
        %dma_start3A_310 = arith.constant 0 : i32
        %dma_start3A_311 = tpu.memref_slice %arg2[%squeeze3A_301, %dma_start3A_310] : memref<1000000x64xf32, #tpu.memory_space<hbm>> -> memref<1x64xf32, #tpu.memory_space<hbm>>
        tpu.enqueue_dma source(%dma_start3A_311 : memref<1x64xf32, #tpu.memory_space<hbm>>) target(%dma_start3A_309 : memref<1x64xf32, #tpu.memory_space<vmem>>) target_semaphore(%arg10 : memref<!tpu.dma_semaphore, #tpu.memory_space<semaphore_mem>>)
        %add3A_312 = arith.constant 12 : i32
        %add3A_313 = arith.addi %add3A_62, %add3A_312 : i32
        %mul3A_314 = arith.constant 5243 : i32
        %mul3A_315 = arith.muli %add3A_313, %mul3A_314 : i32
        %shift_right_arithmetic3A_316 = arith.constant 18 : i32
        %shift_right_arithmetic3A_317 = arith.shrsi %mul3A_315, %shift_right_arithmetic3A_316 : i32
        %mul3A_318 = arith.constant 50 : i32
        %mul3A_319 = arith.muli %shift_right_arithmetic3A_317, %mul3A_318 : i32
        %sub3A_320 = arith.subi %add3A_313, %mul3A_319 : i32
        %slice3A_321 = vector.extract_strided_slice %get3A_64 {offsets = [12], sizes = [1], strides = [1]} : vector<16xi32> to vector<1xi32>
        %squeeze3A_322 = vector.extract %slice3A_321[0] : i32 from vector<1xi32>
        %dma_start3A_323 = arith.constant 0 : i32
        %dma_start3A_324 = tpu.memref_slice %arg8[%shift_right_arithmetic3A_317, %sub3A_320, %dma_start3A_323] : memref<8x50x64xf32, #tpu.memory_space<vmem>> -> memref<1x1x64xf32, #tpu.memory_space<vmem>>
        %dma_start3A_325 = tpu.memref_squeeze %dma_start3A_324 : memref<1x1x64xf32, #tpu.memory_space<vmem>> -> memref<1x64xf32, #tpu.memory_space<vmem>>
        %dma_start3A_326 = arith.constant 0 : i32
        %dma_start3A_327 = tpu.memref_slice %arg2[%squeeze3A_322, %dma_start3A_326] : memref<1000000x64xf32, #tpu.memory_space<hbm>> -> memref<1x64xf32, #tpu.memory_space<hbm>>
        %dma_start3A_328 = arith.constant 0 : i32
        %dma_start3A_329 = tpu.memref_slice %arg8[%shift_right_arithmetic3A_317, %sub3A_320, %dma_start3A_328] : memref<8x50x64xf32, #tpu.memory_space<vmem>> -> memref<1x1x64xf32, #tpu.memory_space<vmem>>
        %dma_start3A_330 = tpu.memref_squeeze %dma_start3A_329 : memref<1x1x64xf32, #tpu.memory_space<vmem>> -> memref<1x64xf32, #tpu.memory_space<vmem>>
        %dma_start3A_331 = arith.constant 0 : i32
        %dma_start3A_332 = tpu.memref_slice %arg2[%squeeze3A_322, %dma_start3A_331] : memref<1000000x64xf32, #tpu.memory_space<hbm>> -> memref<1x64xf32, #tpu.memory_space<hbm>>
        tpu.enqueue_dma source(%dma_start3A_332 : memref<1x64xf32, #tpu.memory_space<hbm>>) target(%dma_start3A_330 : memref<1x64xf32, #tpu.memory_space<vmem>>) target_semaphore(%arg10 : memref<!tpu.dma_semaphore, #tpu.memory_space<semaphore_mem>>)
        %add3A_333 = arith.constant 13 : i32
        %add3A_334 = arith.addi %add3A_62, %add3A_333 : i32
        %mul3A_335 = arith.constant 5243 : i32
        %mul3A_336 = arith.muli %add3A_334, %mul3A_335 : i32
        %shift_right_arithmetic3A_337 = arith.constant 18 : i32
        %shift_right_arithmetic3A_338 = arith.shrsi %mul3A_336, %shift_right_arithmetic3A_337 : i32
        %mul3A_339 = arith.constant 50 : i32
        %mul3A_340 = arith.muli %shift_right_arithmetic3A_338, %mul3A_339 : i32
        %sub3A_341 = arith.subi %add3A_334, %mul3A_340 : i32
        %slice3A_342 = vector.extract_strided_slice %get3A_64 {offsets = [13], sizes = [1], strides = [1]} : vector<16xi32> to vector<1xi32>
        %squeeze3A_343 = vector.extract %slice3A_342[0] : i32 from vector<1xi32>
        %dma_start3A_344 = arith.constant 0 : i32
        %dma_start3A_345 = tpu.memref_slice %arg8[%shift_right_arithmetic3A_338, %sub3A_341, %dma_start3A_344] : memref<8x50x64xf32, #tpu.memory_space<vmem>> -> memref<1x1x64xf32, #tpu.memory_space<vmem>>
        %dma_start3A_346 = tpu.memref_squeeze %dma_start3A_345 : memref<1x1x64xf32, #tpu.memory_space<vmem>> -> memref<1x64xf32, #tpu.memory_space<vmem>>
        %dma_start3A_347 = arith.constant 0 : i32
        %dma_start3A_348 = tpu.memref_slice %arg2[%squeeze3A_343, %dma_start3A_347] : memref<1000000x64xf32, #tpu.memory_space<hbm>> -> memref<1x64xf32, #tpu.memory_space<hbm>>
        %dma_start3A_349 = arith.constant 0 : i32
        %dma_start3A_350 = tpu.memref_slice %arg8[%shift_right_arithmetic3A_338, %sub3A_341, %dma_start3A_349] : memref<8x50x64xf32, #tpu.memory_space<vmem>> -> memref<1x1x64xf32, #tpu.memory_space<vmem>>
        %dma_start3A_351 = tpu.memref_squeeze %dma_start3A_350 : memref<1x1x64xf32, #tpu.memory_space<vmem>> -> memref<1x64xf32, #tpu.memory_space<vmem>>
        %dma_start3A_352 = arith.constant 0 : i32
        %dma_start3A_353 = tpu.memref_slice %arg2[%squeeze3A_343, %dma_start3A_352] : memref<1000000x64xf32, #tpu.memory_space<hbm>> -> memref<1x64xf32, #tpu.memory_space<hbm>>
        tpu.enqueue_dma source(%dma_start3A_353 : memref<1x64xf32, #tpu.memory_space<hbm>>) target(%dma_start3A_351 : memref<1x64xf32, #tpu.memory_space<vmem>>) target_semaphore(%arg10 : memref<!tpu.dma_semaphore, #tpu.memory_space<semaphore_mem>>)
        %add3A_354 = arith.constant 14 : i32
        %add3A_355 = arith.addi %add3A_62, %add3A_354 : i32
        %mul3A_356 = arith.constant 5243 : i32
        %mul3A_357 = arith.muli %add3A_355, %mul3A_356 : i32
        %shift_right_arithmetic3A_358 = arith.constant 18 : i32
        %shift_right_arithmetic3A_359 = arith.shrsi %mul3A_357, %shift_right_arithmetic3A_358 : i32
        %mul3A_360 = arith.constant 50 : i32
        %mul3A_361 = arith.muli %shift_right_arithmetic3A_359, %mul3A_360 : i32
        %sub3A_362 = arith.subi %add3A_355, %mul3A_361 : i32
        %slice3A_363 = vector.extract_strided_slice %get3A_64 {offsets = [14], sizes = [1], strides = [1]} : vector<16xi32> to vector<1xi32>
        %squeeze3A_364 = vector.extract %slice3A_363[0] : i32 from vector<1xi32>
        %dma_start3A_365 = arith.constant 0 : i32
        %dma_start3A_366 = tpu.memref_slice %arg8[%shift_right_arithmetic3A_359, %sub3A_362, %dma_start3A_365] : memref<8x50x64xf32, #tpu.memory_space<vmem>> -> memref<1x1x64xf32, #tpu.memory_space<vmem>>
        %dma_start3A_367 = tpu.memref_squeeze %dma_start3A_366 : memref<1x1x64xf32, #tpu.memory_space<vmem>> -> memref<1x64xf32, #tpu.memory_space<vmem>>
        %dma_start3A_368 = arith.constant 0 : i32
        %dma_start3A_369 = tpu.memref_slice %arg2[%squeeze3A_364, %dma_start3A_368] : memref<1000000x64xf32, #tpu.memory_space<hbm>> -> memref<1x64xf32, #tpu.memory_space<hbm>>
        %dma_start3A_370 = arith.constant 0 : i32
        %dma_start3A_371 = tpu.memref_slice %arg8[%shift_right_arithmetic3A_359, %sub3A_362, %dma_start3A_370] : memref<8x50x64xf32, #tpu.memory_space<vmem>> -> memref<1x1x64xf32, #tpu.memory_space<vmem>>
        %dma_start3A_372 = tpu.memref_squeeze %dma_start3A_371 : memref<1x1x64xf32, #tpu.memory_space<vmem>> -> memref<1x64xf32, #tpu.memory_space<vmem>>
        %dma_start3A_373 = arith.constant 0 : i32
        %dma_start3A_374 = tpu.memref_slice %arg2[%squeeze3A_364, %dma_start3A_373] : memref<1000000x64xf32, #tpu.memory_space<hbm>> -> memref<1x64xf32, #tpu.memory_space<hbm>>
        tpu.enqueue_dma source(%dma_start3A_374 : memref<1x64xf32, #tpu.memory_space<hbm>>) target(%dma_start3A_372 : memref<1x64xf32, #tpu.memory_space<vmem>>) target_semaphore(%arg10 : memref<!tpu.dma_semaphore, #tpu.memory_space<semaphore_mem>>)
        %add3A_375 = arith.constant 15 : i32
        %add3A_376 = arith.addi %add3A_62, %add3A_375 : i32
        %mul3A_377 = arith.constant 5243 : i32
        %mul3A_378 = arith.muli %add3A_376, %mul3A_377 : i32
        %shift_right_arithmetic3A_379 = arith.constant 18 : i32
        %shift_right_arithmetic3A_380 = arith.shrsi %mul3A_378, %shift_right_arithmetic3A_379 : i32
        %mul3A_381 = arith.constant 50 : i32
        %mul3A_382 = arith.muli %shift_right_arithmetic3A_380, %mul3A_381 : i32
        %sub3A_383 = arith.subi %add3A_376, %mul3A_382 : i32
        %slice3A_384 = vector.extract_strided_slice %get3A_64 {offsets = [15], sizes = [1], strides = [1]} : vector<16xi32> to vector<1xi32>
        %squeeze3A_385 = vector.extract %slice3A_384[0] : i32 from vector<1xi32>
        %dma_start3A_386 = arith.constant 0 : i32
        %dma_start3A_387 = tpu.memref_slice %arg8[%shift_right_arithmetic3A_380, %sub3A_383, %dma_start3A_386] : memref<8x50x64xf32, #tpu.memory_space<vmem>> -> memref<1x1x64xf32, #tpu.memory_space<vmem>>
        %dma_start3A_388 = tpu.memref_squeeze %dma_start3A_387 : memref<1x1x64xf32, #tpu.memory_space<vmem>> -> memref<1x64xf32, #tpu.memory_space<vmem>>
        %dma_start3A_389 = arith.constant 0 : i32
        %dma_start3A_390 = tpu.memref_slice %arg2[%squeeze3A_385, %dma_start3A_389] : memref<1000000x64xf32, #tpu.memory_space<hbm>> -> memref<1x64xf32, #tpu.memory_space<hbm>>
        %dma_start3A_391 = arith.constant 0 : i32
        %dma_start3A_392 = tpu.memref_slice %arg8[%shift_right_arithmetic3A_380, %sub3A_383, %dma_start3A_391] : memref<8x50x64xf32, #tpu.memory_space<vmem>> -> memref<1x1x64xf32, #tpu.memory_space<vmem>>
        %dma_start3A_393 = tpu.memref_squeeze %dma_start3A_392 : memref<1x1x64xf32, #tpu.memory_space<vmem>> -> memref<1x64xf32, #tpu.memory_space<vmem>>
        %dma_start3A_394 = arith.constant 0 : i32
        %dma_start3A_395 = tpu.memref_slice %arg2[%squeeze3A_385, %dma_start3A_394] : memref<1000000x64xf32, #tpu.memory_space<hbm>> -> memref<1x64xf32, #tpu.memory_space<hbm>>
        tpu.enqueue_dma source(%dma_start3A_395 : memref<1x64xf32, #tpu.memory_space<hbm>>) target(%dma_start3A_393 : memref<1x64xf32, #tpu.memory_space<vmem>>) target_semaphore(%arg10 : memref<!tpu.dma_semaphore, #tpu.memory_space<semaphore_mem>>)
      }
      %scan3A_30 = arith.constant 25 : i32
      %dma_wait3A = arith.constant 0 : i32
      %dma_wait3A_31 = arith.constant 0 : i32
      %dma_wait3A_32 = arith.constant 0 : i32
      %dma_wait3A_33 = tpu.memref_slice %arg4[%dma_wait3A, %dma_wait3A_31, %dma_wait3A_32] : memref<4096x50x64xf32, #tpu.memory_space<hbm>> -> memref<8x50x64xf32, #tpu.memory_space<hbm>>
      %dma_wait3A_34 = arith.constant 0 : i32
      %dma_wait3A_35 = arith.constant 0 : i32
      %dma_wait3A_36 = arith.constant 0 : i32
      %dma_wait3A_37 = tpu.memref_slice %arg4[%dma_wait3A_34, %dma_wait3A_35, %dma_wait3A_36] : memref<4096x50x64xf32, #tpu.memory_space<hbm>> -> memref<8x50x64xf32, #tpu.memory_space<hbm>>
      tpu.wait_dma2 semaphore(%arg9 : memref<!tpu.dma_semaphore, #tpu.memory_space<semaphore_mem>>) src(%dma_wait3A_37 : memref<8x50x64xf32, #tpu.memory_space<hbm>>) dst(%arg7 : memref<8x50x64xf32, #tpu.memory_space<vmem>>)
      %mul3A_38 = arith.constant 8 : i32
      %mul3A_39 = arith.muli %add3A_20, %mul3A_38 : i32
      %add3A_40 = arith.addi %mul3A_4, %mul3A_39 : i32
      "tpu.region"() ({
        %run_scoped3A = tpu.sem_alloc : memref<!tpu.dma_semaphore, #tpu.memory_space<semaphore_mem>>
        %dma_start3A = arith.constant 0 : i32
        %dma_start3A_58 = arith.constant 0 : i32
        %dma_start3A_59 = tpu.memref_slice %arg4[%add3A_40, %dma_start3A, %dma_start3A_58] : memref<4096x50x64xf32, #tpu.memory_space<hbm>> -> memref<8x50x64xf32, #tpu.memory_space<hbm>>
        %dma_start3A_60 = arith.constant 0 : i32
        %dma_start3A_61 = arith.constant 0 : i32
        %dma_start3A_62 = tpu.memref_slice %arg4[%add3A_40, %dma_start3A_60, %dma_start3A_61] : memref<4096x50x64xf32, #tpu.memory_space<hbm>> -> memref<8x50x64xf32, #tpu.memory_space<hbm>>
        tpu.enqueue_dma source(%arg7 : memref<8x50x64xf32, #tpu.memory_space<vmem>>) target(%dma_start3A_62 : memref<8x50x64xf32, #tpu.memory_space<hbm>>) target_semaphore(%run_scoped3A : memref<!tpu.dma_semaphore, #tpu.memory_space<semaphore_mem>>)
        %dma_wait3A_63 = arith.constant 0 : i32
        %dma_wait3A_64 = arith.constant 0 : i32
        %dma_wait3A_65 = tpu.memref_slice %arg4[%add3A_40, %dma_wait3A_63, %dma_wait3A_64] : memref<4096x50x64xf32, #tpu.memory_space<hbm>> -> memref<8x50x64xf32, #tpu.memory_space<hbm>>
        %dma_wait3A_66 = arith.constant 0 : i32
        %dma_wait3A_67 = arith.constant 0 : i32
        %dma_wait3A_68 = tpu.memref_slice %arg4[%add3A_40, %dma_wait3A_66, %dma_wait3A_67] : memref<4096x50x64xf32, #tpu.memory_space<hbm>> -> memref<8x50x64xf32, #tpu.memory_space<hbm>>
        tpu.wait_dma2 semaphore(%run_scoped3A : memref<!tpu.dma_semaphore, #tpu.memory_space<semaphore_mem>>) src(%arg7 : memref<8x50x64xf32, #tpu.memory_space<vmem>>) dst(%dma_wait3A_68 : memref<8x50x64xf32, #tpu.memory_space<hbm>>)
        tpu.yield
      }) : () -> ()
      %add3A_41 = arith.constant 2 : i32
      %add3A_42 = arith.addi %add3A_20, %add3A_41 : i32
      %lt3A = arith.constant 16 : i32
      %lt3A_43 = arith.cmpi slt, %add3A_42, %lt3A : i32
      %convert_element_type3A = arith.extui %lt3A_43 : i1 to i32
      %cond3A = arith.constant 0 : i32
      %cond3A_44 = arith.cmpi ne, %convert_element_type3A, %cond3A : i32
      scf.if %cond3A_44 {
        %add3A_58 = arith.constant 2 : i32
        %add3A_59 = arith.addi %add3A_20, %add3A_58 : i32
        %mul3A_60 = arith.constant 400 : i32
        %mul3A_61 = arith.muli %add3A_59, %mul3A_60 : i32
        %add3A_62 = arith.addi %mul3A_2, %mul3A_61 : i32
        "tpu.region"() ({
          %run_scoped3A = tpu.sem_alloc : memref<!tpu.dma_semaphore, #tpu.memory_space<semaphore_mem>>
          %dma_start3A = tpu.memref_slice %arg3[%add3A_62] : memref<204800xi32, #tpu.memory_space<hbm>> -> memref<400xi32, #tpu.memory_space<hbm>>
          %dma_start3A_68 = tpu.memref_slice %arg3[%add3A_62] : memref<204800xi32, #tpu.memory_space<hbm>> -> memref<400xi32, #tpu.memory_space<hbm>>
          tpu.enqueue_dma source(%dma_start3A_68 : memref<400xi32, #tpu.memory_space<hbm>>) target(%arg5 : memref<400xi32, #tpu.memory_space<vmem>>) target_semaphore(%run_scoped3A : memref<!tpu.dma_semaphore, #tpu.memory_space<semaphore_mem>>)
          %dma_wait3A_69 = tpu.memref_slice %arg3[%add3A_62] : memref<204800xi32, #tpu.memory_space<hbm>> -> memref<400xi32, #tpu.memory_space<hbm>>
          %dma_wait3A_70 = tpu.memref_slice %arg3[%add3A_62] : memref<204800xi32, #tpu.memory_space<hbm>> -> memref<400xi32, #tpu.memory_space<hbm>>
          tpu.wait_dma2 semaphore(%run_scoped3A : memref<!tpu.dma_semaphore, #tpu.memory_space<semaphore_mem>>) src(%dma_wait3A_70 : memref<400xi32, #tpu.memory_space<hbm>>) dst(%arg5 : memref<400xi32, #tpu.memory_space<vmem>>)
          tpu.yield
        }) : () -> ()
        %scan3A_63 = arith.constant 0 : i32
        %scan3A_64 = arith.constant 25 : i32
        %scan3A_65 = arith.addi %scan3A_63, %scan3A_64 : i32
        %scan3A_66 = arith.constant 1 : i32
        scf.for %scan3A_68 = %scan3A_63 to %scan3A_65 step %scan3A_66  : i32 {
          %mul3A_69 = arith.constant 16 : i32
          %mul3A_70 = arith.muli %scan3A_68, %mul3A_69 : i32
          %add3A_71 = arith.constant 0 : i32
          %add3A_72 = arith.addi %add3A_71, %mul3A_70 : i32
          %get3A = arith.index_cast %add3A_72 : i32 to index
          %get3A_73 = tpu.vector_load %arg5[%get3A] {strides = array<i32>} : memref<400xi32, #tpu.memory_space<vmem>>, vector<16xi32>,
          %get3A_74 = vector.shape_cast %get3A_73 : vector<16xi32> to vector<16xi32>
          %add3A_75 = arith.constant 0 : i32
          %add3A_76 = arith.addi %add3A_72, %add3A_75 : i32
          %mul3A_77 = arith.constant 5243 : i32
          %mul3A_78 = arith.muli %add3A_76, %mul3A_77 : i32
          %shift_right_arithmetic3A = arith.constant 18 : i32
          %shift_right_arithmetic3A_79 = arith.shrsi %mul3A_78, %shift_right_arithmetic3A : i32
          %mul3A_80 = arith.constant 50 : i32
          %mul3A_81 = arith.muli %shift_right_arithmetic3A_79, %mul3A_80 : i32
          %sub3A = arith.subi %add3A_76, %mul3A_81 : i32
          %slice3A = vector.extract_strided_slice %get3A_74 {offsets = [0], sizes = [1], strides = [1]} : vector<16xi32> to vector<1xi32>
          %squeeze3A = vector.extract %slice3A[0] : i32 from vector<1xi32>
          %dma_start3A = arith.constant 0 : i32
          %dma_start3A_82 = tpu.memref_slice %arg7[%shift_right_arithmetic3A_79, %sub3A, %dma_start3A] : memref<8x50x64xf32, #tpu.memory_space<vmem>> -> memref<1x1x64xf32, #tpu.memory_space<vmem>>
          %dma_start3A_83 = tpu.memref_squeeze %dma_start3A_82 : memref<1x1x64xf32, #tpu.memory_space<vmem>> -> memref<1x64xf32, #tpu.memory_space<vmem>>
          %dma_start3A_84 = arith.constant 0 : i32
          %dma_start3A_85 = tpu.memref_slice %arg2[%squeeze3A, %dma_start3A_84] : memref<1000000x64xf32, #tpu.memory_space<hbm>> -> memref<1x64xf32, #tpu.memory_space<hbm>>
          %dma_start3A_86 = arith.constant 0 : i32
          %dma_start3A_87 = tpu.memref_slice %arg7[%shift_right_arithmetic3A_79, %sub3A, %dma_start3A_86] : memref<8x50x64xf32, #tpu.memory_space<vmem>> -> memref<1x1x64xf32, #tpu.memory_space<vmem>>
          %dma_start3A_88 = tpu.memref_squeeze %dma_start3A_87 : memref<1x1x64xf32, #tpu.memory_space<vmem>> -> memref<1x64xf32, #tpu.memory_space<vmem>>
          %dma_start3A_89 = arith.constant 0 : i32
          %dma_start3A_90 = tpu.memref_slice %arg2[%squeeze3A, %dma_start3A_89] : memref<1000000x64xf32, #tpu.memory_space<hbm>> -> memref<1x64xf32, #tpu.memory_space<hbm>>
          tpu.enqueue_dma source(%dma_start3A_90 : memref<1x64xf32, #tpu.memory_space<hbm>>) target(%dma_start3A_88 : memref<1x64xf32, #tpu.memory_space<vmem>>) target_semaphore(%arg9 : memref<!tpu.dma_semaphore, #tpu.memory_space<semaphore_mem>>)
          %add3A_91 = arith.constant 1 : i32
          %add3A_92 = arith.addi %add3A_72, %add3A_91 : i32
          %mul3A_93 = arith.constant 5243 : i32
          %mul3A_94 = arith.muli %add3A_92, %mul3A_93 : i32
          %shift_right_arithmetic3A_95 = arith.constant 18 : i32
          %shift_right_arithmetic3A_96 = arith.shrsi %mul3A_94, %shift_right_arithmetic3A_95 : i32
          %mul3A_97 = arith.constant 50 : i32
          %mul3A_98 = arith.muli %shift_right_arithmetic3A_96, %mul3A_97 : i32
          %sub3A_99 = arith.subi %add3A_92, %mul3A_98 : i32
          %slice3A_100 = vector.extract_strided_slice %get3A_74 {offsets = [1], sizes = [1], strides = [1]} : vector<16xi32> to vector<1xi32>
          %squeeze3A_101 = vector.extract %slice3A_100[0] : i32 from vector<1xi32>
          %dma_start3A_102 = arith.constant 0 : i32
          %dma_start3A_103 = tpu.memref_slice %arg7[%shift_right_arithmetic3A_96, %sub3A_99, %dma_start3A_102] : memref<8x50x64xf32, #tpu.memory_space<vmem>> -> memref<1x1x64xf32, #tpu.memory_space<vmem>>
          %dma_start3A_104 = tpu.memref_squeeze %dma_start3A_103 : memref<1x1x64xf32, #tpu.memory_space<vmem>> -> memref<1x64xf32, #tpu.memory_space<vmem>>
          %dma_start3A_105 = arith.constant 0 : i32
          %dma_start3A_106 = tpu.memref_slice %arg2[%squeeze3A_101, %dma_start3A_105] : memref<1000000x64xf32, #tpu.memory_space<hbm>> -> memref<1x64xf32, #tpu.memory_space<hbm>>
          %dma_start3A_107 = arith.constant 0 : i32
          %dma_start3A_108 = tpu.memref_slice %arg7[%shift_right_arithmetic3A_96, %sub3A_99, %dma_start3A_107] : memref<8x50x64xf32, #tpu.memory_space<vmem>> -> memref<1x1x64xf32, #tpu.memory_space<vmem>>
          %dma_start3A_109 = tpu.memref_squeeze %dma_start3A_108 : memref<1x1x64xf32, #tpu.memory_space<vmem>> -> memref<1x64xf32, #tpu.memory_space<vmem>>
          %dma_start3A_110 = arith.constant 0 : i32
          %dma_start3A_111 = tpu.memref_slice %arg2[%squeeze3A_101, %dma_start3A_110] : memref<1000000x64xf32, #tpu.memory_space<hbm>> -> memref<1x64xf32, #tpu.memory_space<hbm>>
          tpu.enqueue_dma source(%dma_start3A_111 : memref<1x64xf32, #tpu.memory_space<hbm>>) target(%dma_start3A_109 : memref<1x64xf32, #tpu.memory_space<vmem>>) target_semaphore(%arg9 : memref<!tpu.dma_semaphore, #tpu.memory_space<semaphore_mem>>)
          %add3A_112 = arith.constant 2 : i32
          %add3A_113 = arith.addi %add3A_72, %add3A_112 : i32
          %mul3A_114 = arith.constant 5243 : i32
          %mul3A_115 = arith.muli %add3A_113, %mul3A_114 : i32
          %shift_right_arithmetic3A_116 = arith.constant 18 : i32
          %shift_right_arithmetic3A_117 = arith.shrsi %mul3A_115, %shift_right_arithmetic3A_116 : i32
          %mul3A_118 = arith.constant 50 : i32
          %mul3A_119 = arith.muli %shift_right_arithmetic3A_117, %mul3A_118 : i32
          %sub3A_120 = arith.subi %add3A_113, %mul3A_119 : i32
          %slice3A_121 = vector.extract_strided_slice %get3A_74 {offsets = [2], sizes = [1], strides = [1]} : vector<16xi32> to vector<1xi32>
          %squeeze3A_122 = vector.extract %slice3A_121[0] : i32 from vector<1xi32>
          %dma_start3A_123 = arith.constant 0 : i32
          %dma_start3A_124 = tpu.memref_slice %arg7[%shift_right_arithmetic3A_117, %sub3A_120, %dma_start3A_123] : memref<8x50x64xf32, #tpu.memory_space<vmem>> -> memref<1x1x64xf32, #tpu.memory_space<vmem>>
          %dma_start3A_125 = tpu.memref_squeeze %dma_start3A_124 : memref<1x1x64xf32, #tpu.memory_space<vmem>> -> memref<1x64xf32, #tpu.memory_space<vmem>>
          %dma_start3A_126 = arith.constant 0 : i32
          %dma_start3A_127 = tpu.memref_slice %arg2[%squeeze3A_122, %dma_start3A_126] : memref<1000000x64xf32, #tpu.memory_space<hbm>> -> memref<1x64xf32, #tpu.memory_space<hbm>>
          %dma_start3A_128 = arith.constant 0 : i32
          %dma_start3A_129 = tpu.memref_slice %arg7[%shift_right_arithmetic3A_117, %sub3A_120, %dma_start3A_128] : memref<8x50x64xf32, #tpu.memory_space<vmem>> -> memref<1x1x64xf32, #tpu.memory_space<vmem>>
          %dma_start3A_130 = tpu.memref_squeeze %dma_start3A_129 : memref<1x1x64xf32, #tpu.memory_space<vmem>> -> memref<1x64xf32, #tpu.memory_space<vmem>>
          %dma_start3A_131 = arith.constant 0 : i32
          %dma_start3A_132 = tpu.memref_slice %arg2[%squeeze3A_122, %dma_start3A_131] : memref<1000000x64xf32, #tpu.memory_space<hbm>> -> memref<1x64xf32, #tpu.memory_space<hbm>>
          tpu.enqueue_dma source(%dma_start3A_132 : memref<1x64xf32, #tpu.memory_space<hbm>>) target(%dma_start3A_130 : memref<1x64xf32, #tpu.memory_space<vmem>>) target_semaphore(%arg9 : memref<!tpu.dma_semaphore, #tpu.memory_space<semaphore_mem>>)
          %add3A_133 = arith.constant 3 : i32
          %add3A_134 = arith.addi %add3A_72, %add3A_133 : i32
          %mul3A_135 = arith.constant 5243 : i32
          %mul3A_136 = arith.muli %add3A_134, %mul3A_135 : i32
          %shift_right_arithmetic3A_137 = arith.constant 18 : i32
          %shift_right_arithmetic3A_138 = arith.shrsi %mul3A_136, %shift_right_arithmetic3A_137 : i32
          %mul3A_139 = arith.constant 50 : i32
          %mul3A_140 = arith.muli %shift_right_arithmetic3A_138, %mul3A_139 : i32
          %sub3A_141 = arith.subi %add3A_134, %mul3A_140 : i32
          %slice3A_142 = vector.extract_strided_slice %get3A_74 {offsets = [3], sizes = [1], strides = [1]} : vector<16xi32> to vector<1xi32>
          %squeeze3A_143 = vector.extract %slice3A_142[0] : i32 from vector<1xi32>
          %dma_start3A_144 = arith.constant 0 : i32
          %dma_start3A_145 = tpu.memref_slice %arg7[%shift_right_arithmetic3A_138, %sub3A_141, %dma_start3A_144] : memref<8x50x64xf32, #tpu.memory_space<vmem>> -> memref<1x1x64xf32, #tpu.memory_space<vmem>>
          %dma_start3A_146 = tpu.memref_squeeze %dma_start3A_145 : memref<1x1x64xf32, #tpu.memory_space<vmem>> -> memref<1x64xf32, #tpu.memory_space<vmem>>
          %dma_start3A_147 = arith.constant 0 : i32
          %dma_start3A_148 = tpu.memref_slice %arg2[%squeeze3A_143, %dma_start3A_147] : memref<1000000x64xf32, #tpu.memory_space<hbm>> -> memref<1x64xf32, #tpu.memory_space<hbm>>
          %dma_start3A_149 = arith.constant 0 : i32
          %dma_start3A_150 = tpu.memref_slice %arg7[%shift_right_arithmetic3A_138, %sub3A_141, %dma_start3A_149] : memref<8x50x64xf32, #tpu.memory_space<vmem>> -> memref<1x1x64xf32, #tpu.memory_space<vmem>>
          %dma_start3A_151 = tpu.memref_squeeze %dma_start3A_150 : memref<1x1x64xf32, #tpu.memory_space<vmem>> -> memref<1x64xf32, #tpu.memory_space<vmem>>
          %dma_start3A_152 = arith.constant 0 : i32
          %dma_start3A_153 = tpu.memref_slice %arg2[%squeeze3A_143, %dma_start3A_152] : memref<1000000x64xf32, #tpu.memory_space<hbm>> -> memref<1x64xf32, #tpu.memory_space<hbm>>
          tpu.enqueue_dma source(%dma_start3A_153 : memref<1x64xf32, #tpu.memory_space<hbm>>) target(%dma_start3A_151 : memref<1x64xf32, #tpu.memory_space<vmem>>) target_semaphore(%arg9 : memref<!tpu.dma_semaphore, #tpu.memory_space<semaphore_mem>>)
          %add3A_154 = arith.constant 4 : i32
          %add3A_155 = arith.addi %add3A_72, %add3A_154 : i32
          %mul3A_156 = arith.constant 5243 : i32
          %mul3A_157 = arith.muli %add3A_155, %mul3A_156 : i32
          %shift_right_arithmetic3A_158 = arith.constant 18 : i32
          %shift_right_arithmetic3A_159 = arith.shrsi %mul3A_157, %shift_right_arithmetic3A_158 : i32
          %mul3A_160 = arith.constant 50 : i32
          %mul3A_161 = arith.muli %shift_right_arithmetic3A_159, %mul3A_160 : i32
          %sub3A_162 = arith.subi %add3A_155, %mul3A_161 : i32
          %slice3A_163 = vector.extract_strided_slice %get3A_74 {offsets = [4], sizes = [1], strides = [1]} : vector<16xi32> to vector<1xi32>
          %squeeze3A_164 = vector.extract %slice3A_163[0] : i32 from vector<1xi32>
          %dma_start3A_165 = arith.constant 0 : i32
          %dma_start3A_166 = tpu.memref_slice %arg7[%shift_right_arithmetic3A_159, %sub3A_162, %dma_start3A_165] : memref<8x50x64xf32, #tpu.memory_space<vmem>> -> memref<1x1x64xf32, #tpu.memory_space<vmem>>
          %dma_start3A_167 = tpu.memref_squeeze %dma_start3A_166 : memref<1x1x64xf32, #tpu.memory_space<vmem>> -> memref<1x64xf32, #tpu.memory_space<vmem>>
          %dma_start3A_168 = arith.constant 0 : i32
          %dma_start3A_169 = tpu.memref_slice %arg2[%squeeze3A_164, %dma_start3A_168] : memref<1000000x64xf32, #tpu.memory_space<hbm>> -> memref<1x64xf32, #tpu.memory_space<hbm>>
          %dma_start3A_170 = arith.constant 0 : i32
          %dma_start3A_171 = tpu.memref_slice %arg7[%shift_right_arithmetic3A_159, %sub3A_162, %dma_start3A_170] : memref<8x50x64xf32, #tpu.memory_space<vmem>> -> memref<1x1x64xf32, #tpu.memory_space<vmem>>
          %dma_start3A_172 = tpu.memref_squeeze %dma_start3A_171 : memref<1x1x64xf32, #tpu.memory_space<vmem>> -> memref<1x64xf32, #tpu.memory_space<vmem>>
          %dma_start3A_173 = arith.constant 0 : i32
          %dma_start3A_174 = tpu.memref_slice %arg2[%squeeze3A_164, %dma_start3A_173] : memref<1000000x64xf32, #tpu.memory_space<hbm>> -> memref<1x64xf32, #tpu.memory_space<hbm>>
          tpu.enqueue_dma source(%dma_start3A_174 : memref<1x64xf32, #tpu.memory_space<hbm>>) target(%dma_start3A_172 : memref<1x64xf32, #tpu.memory_space<vmem>>) target_semaphore(%arg9 : memref<!tpu.dma_semaphore, #tpu.memory_space<semaphore_mem>>)
          %add3A_175 = arith.constant 5 : i32
          %add3A_176 = arith.addi %add3A_72, %add3A_175 : i32
          %mul3A_177 = arith.constant 5243 : i32
          %mul3A_178 = arith.muli %add3A_176, %mul3A_177 : i32
          %shift_right_arithmetic3A_179 = arith.constant 18 : i32
          %shift_right_arithmetic3A_180 = arith.shrsi %mul3A_178, %shift_right_arithmetic3A_179 : i32
          %mul3A_181 = arith.constant 50 : i32
          %mul3A_182 = arith.muli %shift_right_arithmetic3A_180, %mul3A_181 : i32
          %sub3A_183 = arith.subi %add3A_176, %mul3A_182 : i32
          %slice3A_184 = vector.extract_strided_slice %get3A_74 {offsets = [5], sizes = [1], strides = [1]} : vector<16xi32> to vector<1xi32>
          %squeeze3A_185 = vector.extract %slice3A_184[0] : i32 from vector<1xi32>
          %dma_start3A_186 = arith.constant 0 : i32
          %dma_start3A_187 = tpu.memref_slice %arg7[%shift_right_arithmetic3A_180, %sub3A_183, %dma_start3A_186] : memref<8x50x64xf32, #tpu.memory_space<vmem>> -> memref<1x1x64xf32, #tpu.memory_space<vmem>>
          %dma_start3A_188 = tpu.memref_squeeze %dma_start3A_187 : memref<1x1x64xf32, #tpu.memory_space<vmem>> -> memref<1x64xf32, #tpu.memory_space<vmem>>
          %dma_start3A_189 = arith.constant 0 : i32
          %dma_start3A_190 = tpu.memref_slice %arg2[%squeeze3A_185, %dma_start3A_189] : memref<1000000x64xf32, #tpu.memory_space<hbm>> -> memref<1x64xf32, #tpu.memory_space<hbm>>
          %dma_start3A_191 = arith.constant 0 : i32
          %dma_start3A_192 = tpu.memref_slice %arg7[%shift_right_arithmetic3A_180, %sub3A_183, %dma_start3A_191] : memref<8x50x64xf32, #tpu.memory_space<vmem>> -> memref<1x1x64xf32, #tpu.memory_space<vmem>>
          %dma_start3A_193 = tpu.memref_squeeze %dma_start3A_192 : memref<1x1x64xf32, #tpu.memory_space<vmem>> -> memref<1x64xf32, #tpu.memory_space<vmem>>
          %dma_start3A_194 = arith.constant 0 : i32
          %dma_start3A_195 = tpu.memref_slice %arg2[%squeeze3A_185, %dma_start3A_194] : memref<1000000x64xf32, #tpu.memory_space<hbm>> -> memref<1x64xf32, #tpu.memory_space<hbm>>
          tpu.enqueue_dma source(%dma_start3A_195 : memref<1x64xf32, #tpu.memory_space<hbm>>) target(%dma_start3A_193 : memref<1x64xf32, #tpu.memory_space<vmem>>) target_semaphore(%arg9 : memref<!tpu.dma_semaphore, #tpu.memory_space<semaphore_mem>>)
          %add3A_196 = arith.constant 6 : i32
          %add3A_197 = arith.addi %add3A_72, %add3A_196 : i32
          %mul3A_198 = arith.constant 5243 : i32
          %mul3A_199 = arith.muli %add3A_197, %mul3A_198 : i32
          %shift_right_arithmetic3A_200 = arith.constant 18 : i32
          %shift_right_arithmetic3A_201 = arith.shrsi %mul3A_199, %shift_right_arithmetic3A_200 : i32
          %mul3A_202 = arith.constant 50 : i32
          %mul3A_203 = arith.muli %shift_right_arithmetic3A_201, %mul3A_202 : i32
          %sub3A_204 = arith.subi %add3A_197, %mul3A_203 : i32
          %slice3A_205 = vector.extract_strided_slice %get3A_74 {offsets = [6], sizes = [1], strides = [1]} : vector<16xi32> to vector<1xi32>
          %squeeze3A_206 = vector.extract %slice3A_205[0] : i32 from vector<1xi32>
          %dma_start3A_207 = arith.constant 0 : i32
          %dma_start3A_208 = tpu.memref_slice %arg7[%shift_right_arithmetic3A_201, %sub3A_204, %dma_start3A_207] : memref<8x50x64xf32, #tpu.memory_space<vmem>> -> memref<1x1x64xf32, #tpu.memory_space<vmem>>
          %dma_start3A_209 = tpu.memref_squeeze %dma_start3A_208 : memref<1x1x64xf32, #tpu.memory_space<vmem>> -> memref<1x64xf32, #tpu.memory_space<vmem>>
          %dma_start3A_210 = arith.constant 0 : i32
          %dma_start3A_211 = tpu.memref_slice %arg2[%squeeze3A_206, %dma_start3A_210] : memref<1000000x64xf32, #tpu.memory_space<hbm>> -> memref<1x64xf32, #tpu.memory_space<hbm>>
          %dma_start3A_212 = arith.constant 0 : i32
          %dma_start3A_213 = tpu.memref_slice %arg7[%shift_right_arithmetic3A_201, %sub3A_204, %dma_start3A_212] : memref<8x50x64xf32, #tpu.memory_space<vmem>> -> memref<1x1x64xf32, #tpu.memory_space<vmem>>
          %dma_start3A_214 = tpu.memref_squeeze %dma_start3A_213 : memref<1x1x64xf32, #tpu.memory_space<vmem>> -> memref<1x64xf32, #tpu.memory_space<vmem>>
          %dma_start3A_215 = arith.constant 0 : i32
          %dma_start3A_216 = tpu.memref_slice %arg2[%squeeze3A_206, %dma_start3A_215] : memref<1000000x64xf32, #tpu.memory_space<hbm>> -> memref<1x64xf32, #tpu.memory_space<hbm>>
          tpu.enqueue_dma source(%dma_start3A_216 : memref<1x64xf32, #tpu.memory_space<hbm>>) target(%dma_start3A_214 : memref<1x64xf32, #tpu.memory_space<vmem>>) target_semaphore(%arg9 : memref<!tpu.dma_semaphore, #tpu.memory_space<semaphore_mem>>)
          %add3A_217 = arith.constant 7 : i32
          %add3A_218 = arith.addi %add3A_72, %add3A_217 : i32
          %mul3A_219 = arith.constant 5243 : i32
          %mul3A_220 = arith.muli %add3A_218, %mul3A_219 : i32
          %shift_right_arithmetic3A_221 = arith.constant 18 : i32
          %shift_right_arithmetic3A_222 = arith.shrsi %mul3A_220, %shift_right_arithmetic3A_221 : i32
          %mul3A_223 = arith.constant 50 : i32
          %mul3A_224 = arith.muli %shift_right_arithmetic3A_222, %mul3A_223 : i32
          %sub3A_225 = arith.subi %add3A_218, %mul3A_224 : i32
          %slice3A_226 = vector.extract_strided_slice %get3A_74 {offsets = [7], sizes = [1], strides = [1]} : vector<16xi32> to vector<1xi32>
          %squeeze3A_227 = vector.extract %slice3A_226[0] : i32 from vector<1xi32>
          %dma_start3A_228 = arith.constant 0 : i32
          %dma_start3A_229 = tpu.memref_slice %arg7[%shift_right_arithmetic3A_222, %sub3A_225, %dma_start3A_228] : memref<8x50x64xf32, #tpu.memory_space<vmem>> -> memref<1x1x64xf32, #tpu.memory_space<vmem>>
          %dma_start3A_230 = tpu.memref_squeeze %dma_start3A_229 : memref<1x1x64xf32, #tpu.memory_space<vmem>> -> memref<1x64xf32, #tpu.memory_space<vmem>>
          %dma_start3A_231 = arith.constant 0 : i32
          %dma_start3A_232 = tpu.memref_slice %arg2[%squeeze3A_227, %dma_start3A_231] : memref<1000000x64xf32, #tpu.memory_space<hbm>> -> memref<1x64xf32, #tpu.memory_space<hbm>>
          %dma_start3A_233 = arith.constant 0 : i32
          %dma_start3A_234 = tpu.memref_slice %arg7[%shift_right_arithmetic3A_222, %sub3A_225, %dma_start3A_233] : memref<8x50x64xf32, #tpu.memory_space<vmem>> -> memref<1x1x64xf32, #tpu.memory_space<vmem>>
          %dma_start3A_235 = tpu.memref_squeeze %dma_start3A_234 : memref<1x1x64xf32, #tpu.memory_space<vmem>> -> memref<1x64xf32, #tpu.memory_space<vmem>>
          %dma_start3A_236 = arith.constant 0 : i32
          %dma_start3A_237 = tpu.memref_slice %arg2[%squeeze3A_227, %dma_start3A_236] : memref<1000000x64xf32, #tpu.memory_space<hbm>> -> memref<1x64xf32, #tpu.memory_space<hbm>>
          tpu.enqueue_dma source(%dma_start3A_237 : memref<1x64xf32, #tpu.memory_space<hbm>>) target(%dma_start3A_235 : memref<1x64xf32, #tpu.memory_space<vmem>>) target_semaphore(%arg9 : memref<!tpu.dma_semaphore, #tpu.memory_space<semaphore_mem>>)
          %add3A_238 = arith.constant 8 : i32
          %add3A_239 = arith.addi %add3A_72, %add3A_238 : i32
          %mul3A_240 = arith.constant 5243 : i32
          %mul3A_241 = arith.muli %add3A_239, %mul3A_240 : i32
          %shift_right_arithmetic3A_242 = arith.constant 18 : i32
          %shift_right_arithmetic3A_243 = arith.shrsi %mul3A_241, %shift_right_arithmetic3A_242 : i32
          %mul3A_244 = arith.constant 50 : i32
          %mul3A_245 = arith.muli %shift_right_arithmetic3A_243, %mul3A_244 : i32
          %sub3A_246 = arith.subi %add3A_239, %mul3A_245 : i32
          %slice3A_247 = vector.extract_strided_slice %get3A_74 {offsets = [8], sizes = [1], strides = [1]} : vector<16xi32> to vector<1xi32>
          %squeeze3A_248 = vector.extract %slice3A_247[0] : i32 from vector<1xi32>
          %dma_start3A_249 = arith.constant 0 : i32
          %dma_start3A_250 = tpu.memref_slice %arg7[%shift_right_arithmetic3A_243, %sub3A_246, %dma_start3A_249] : memref<8x50x64xf32, #tpu.memory_space<vmem>> -> memref<1x1x64xf32, #tpu.memory_space<vmem>>
          %dma_start3A_251 = tpu.memref_squeeze %dma_start3A_250 : memref<1x1x64xf32, #tpu.memory_space<vmem>> -> memref<1x64xf32, #tpu.memory_space<vmem>>
          %dma_start3A_252 = arith.constant 0 : i32
          %dma_start3A_253 = tpu.memref_slice %arg2[%squeeze3A_248, %dma_start3A_252] : memref<1000000x64xf32, #tpu.memory_space<hbm>> -> memref<1x64xf32, #tpu.memory_space<hbm>>
          %dma_start3A_254 = arith.constant 0 : i32
          %dma_start3A_255 = tpu.memref_slice %arg7[%shift_right_arithmetic3A_243, %sub3A_246, %dma_start3A_254] : memref<8x50x64xf32, #tpu.memory_space<vmem>> -> memref<1x1x64xf32, #tpu.memory_space<vmem>>
          %dma_start3A_256 = tpu.memref_squeeze %dma_start3A_255 : memref<1x1x64xf32, #tpu.memory_space<vmem>> -> memref<1x64xf32, #tpu.memory_space<vmem>>
          %dma_start3A_257 = arith.constant 0 : i32
          %dma_start3A_258 = tpu.memref_slice %arg2[%squeeze3A_248, %dma_start3A_257] : memref<1000000x64xf32, #tpu.memory_space<hbm>> -> memref<1x64xf32, #tpu.memory_space<hbm>>
          tpu.enqueue_dma source(%dma_start3A_258 : memref<1x64xf32, #tpu.memory_space<hbm>>) target(%dma_start3A_256 : memref<1x64xf32, #tpu.memory_space<vmem>>) target_semaphore(%arg9 : memref<!tpu.dma_semaphore, #tpu.memory_space<semaphore_mem>>)
          %add3A_259 = arith.constant 9 : i32
          %add3A_260 = arith.addi %add3A_72, %add3A_259 : i32
          %mul3A_261 = arith.constant 5243 : i32
          %mul3A_262 = arith.muli %add3A_260, %mul3A_261 : i32
          %shift_right_arithmetic3A_263 = arith.constant 18 : i32
          %shift_right_arithmetic3A_264 = arith.shrsi %mul3A_262, %shift_right_arithmetic3A_263 : i32
          %mul3A_265 = arith.constant 50 : i32
          %mul3A_266 = arith.muli %shift_right_arithmetic3A_264, %mul3A_265 : i32
          %sub3A_267 = arith.subi %add3A_260, %mul3A_266 : i32
          %slice3A_268 = vector.extract_strided_slice %get3A_74 {offsets = [9], sizes = [1], strides = [1]} : vector<16xi32> to vector<1xi32>
          %squeeze3A_269 = vector.extract %slice3A_268[0] : i32 from vector<1xi32>
          %dma_start3A_270 = arith.constant 0 : i32
          %dma_start3A_271 = tpu.memref_slice %arg7[%shift_right_arithmetic3A_264, %sub3A_267, %dma_start3A_270] : memref<8x50x64xf32, #tpu.memory_space<vmem>> -> memref<1x1x64xf32, #tpu.memory_space<vmem>>
          %dma_start3A_272 = tpu.memref_squeeze %dma_start3A_271 : memref<1x1x64xf32, #tpu.memory_space<vmem>> -> memref<1x64xf32, #tpu.memory_space<vmem>>
          %dma_start3A_273 = arith.constant 0 : i32
          %dma_start3A_274 = tpu.memref_slice %arg2[%squeeze3A_269, %dma_start3A_273] : memref<1000000x64xf32, #tpu.memory_space<hbm>> -> memref<1x64xf32, #tpu.memory_space<hbm>>
          %dma_start3A_275 = arith.constant 0 : i32
          %dma_start3A_276 = tpu.memref_slice %arg7[%shift_right_arithmetic3A_264, %sub3A_267, %dma_start3A_275] : memref<8x50x64xf32, #tpu.memory_space<vmem>> -> memref<1x1x64xf32, #tpu.memory_space<vmem>>
          %dma_start3A_277 = tpu.memref_squeeze %dma_start3A_276 : memref<1x1x64xf32, #tpu.memory_space<vmem>> -> memref<1x64xf32, #tpu.memory_space<vmem>>
          %dma_start3A_278 = arith.constant 0 : i32
          %dma_start3A_279 = tpu.memref_slice %arg2[%squeeze3A_269, %dma_start3A_278] : memref<1000000x64xf32, #tpu.memory_space<hbm>> -> memref<1x64xf32, #tpu.memory_space<hbm>>
          tpu.enqueue_dma source(%dma_start3A_279 : memref<1x64xf32, #tpu.memory_space<hbm>>) target(%dma_start3A_277 : memref<1x64xf32, #tpu.memory_space<vmem>>) target_semaphore(%arg9 : memref<!tpu.dma_semaphore, #tpu.memory_space<semaphore_mem>>)
          %add3A_280 = arith.constant 10 : i32
          %add3A_281 = arith.addi %add3A_72, %add3A_280 : i32
          %mul3A_282 = arith.constant 5243 : i32
          %mul3A_283 = arith.muli %add3A_281, %mul3A_282 : i32
          %shift_right_arithmetic3A_284 = arith.constant 18 : i32
          %shift_right_arithmetic3A_285 = arith.shrsi %mul3A_283, %shift_right_arithmetic3A_284 : i32
          %mul3A_286 = arith.constant 50 : i32
          %mul3A_287 = arith.muli %shift_right_arithmetic3A_285, %mul3A_286 : i32
          %sub3A_288 = arith.subi %add3A_281, %mul3A_287 : i32
          %slice3A_289 = vector.extract_strided_slice %get3A_74 {offsets = [10], sizes = [1], strides = [1]} : vector<16xi32> to vector<1xi32>
          %squeeze3A_290 = vector.extract %slice3A_289[0] : i32 from vector<1xi32>
          %dma_start3A_291 = arith.constant 0 : i32
          %dma_start3A_292 = tpu.memref_slice %arg7[%shift_right_arithmetic3A_285, %sub3A_288, %dma_start3A_291] : memref<8x50x64xf32, #tpu.memory_space<vmem>> -> memref<1x1x64xf32, #tpu.memory_space<vmem>>
          %dma_start3A_293 = tpu.memref_squeeze %dma_start3A_292 : memref<1x1x64xf32, #tpu.memory_space<vmem>> -> memref<1x64xf32, #tpu.memory_space<vmem>>
          %dma_start3A_294 = arith.constant 0 : i32
          %dma_start3A_295 = tpu.memref_slice %arg2[%squeeze3A_290, %dma_start3A_294] : memref<1000000x64xf32, #tpu.memory_space<hbm>> -> memref<1x64xf32, #tpu.memory_space<hbm>>
          %dma_start3A_296 = arith.constant 0 : i32
          %dma_start3A_297 = tpu.memref_slice %arg7[%shift_right_arithmetic3A_285, %sub3A_288, %dma_start3A_296] : memref<8x50x64xf32, #tpu.memory_space<vmem>> -> memref<1x1x64xf32, #tpu.memory_space<vmem>>
          %dma_start3A_298 = tpu.memref_squeeze %dma_start3A_297 : memref<1x1x64xf32, #tpu.memory_space<vmem>> -> memref<1x64xf32, #tpu.memory_space<vmem>>
          %dma_start3A_299 = arith.constant 0 : i32
          %dma_start3A_300 = tpu.memref_slice %arg2[%squeeze3A_290, %dma_start3A_299] : memref<1000000x64xf32, #tpu.memory_space<hbm>> -> memref<1x64xf32, #tpu.memory_space<hbm>>
          tpu.enqueue_dma source(%dma_start3A_300 : memref<1x64xf32, #tpu.memory_space<hbm>>) target(%dma_start3A_298 : memref<1x64xf32, #tpu.memory_space<vmem>>) target_semaphore(%arg9 : memref<!tpu.dma_semaphore, #tpu.memory_space<semaphore_mem>>)
          %add3A_301 = arith.constant 11 : i32
          %add3A_302 = arith.addi %add3A_72, %add3A_301 : i32
          %mul3A_303 = arith.constant 5243 : i32
          %mul3A_304 = arith.muli %add3A_302, %mul3A_303 : i32
          %shift_right_arithmetic3A_305 = arith.constant 18 : i32
          %shift_right_arithmetic3A_306 = arith.shrsi %mul3A_304, %shift_right_arithmetic3A_305 : i32
          %mul3A_307 = arith.constant 50 : i32
          %mul3A_308 = arith.muli %shift_right_arithmetic3A_306, %mul3A_307 : i32
          %sub3A_309 = arith.subi %add3A_302, %mul3A_308 : i32
          %slice3A_310 = vector.extract_strided_slice %get3A_74 {offsets = [11], sizes = [1], strides = [1]} : vector<16xi32> to vector<1xi32>
          %squeeze3A_311 = vector.extract %slice3A_310[0] : i32 from vector<1xi32>
          %dma_start3A_312 = arith.constant 0 : i32
          %dma_start3A_313 = tpu.memref_slice %arg7[%shift_right_arithmetic3A_306, %sub3A_309, %dma_start3A_312] : memref<8x50x64xf32, #tpu.memory_space<vmem>> -> memref<1x1x64xf32, #tpu.memory_space<vmem>>
          %dma_start3A_314 = tpu.memref_squeeze %dma_start3A_313 : memref<1x1x64xf32, #tpu.memory_space<vmem>> -> memref<1x64xf32, #tpu.memory_space<vmem>>
          %dma_start3A_315 = arith.constant 0 : i32
          %dma_start3A_316 = tpu.memref_slice %arg2[%squeeze3A_311, %dma_start3A_315] : memref<1000000x64xf32, #tpu.memory_space<hbm>> -> memref<1x64xf32, #tpu.memory_space<hbm>>
          %dma_start3A_317 = arith.constant 0 : i32
          %dma_start3A_318 = tpu.memref_slice %arg7[%shift_right_arithmetic3A_306, %sub3A_309, %dma_start3A_317] : memref<8x50x64xf32, #tpu.memory_space<vmem>> -> memref<1x1x64xf32, #tpu.memory_space<vmem>>
          %dma_start3A_319 = tpu.memref_squeeze %dma_start3A_318 : memref<1x1x64xf32, #tpu.memory_space<vmem>> -> memref<1x64xf32, #tpu.memory_space<vmem>>
          %dma_start3A_320 = arith.constant 0 : i32
          %dma_start3A_321 = tpu.memref_slice %arg2[%squeeze3A_311, %dma_start3A_320] : memref<1000000x64xf32, #tpu.memory_space<hbm>> -> memref<1x64xf32, #tpu.memory_space<hbm>>
          tpu.enqueue_dma source(%dma_start3A_321 : memref<1x64xf32, #tpu.memory_space<hbm>>) target(%dma_start3A_319 : memref<1x64xf32, #tpu.memory_space<vmem>>) target_semaphore(%arg9 : memref<!tpu.dma_semaphore, #tpu.memory_space<semaphore_mem>>)
          %add3A_322 = arith.constant 12 : i32
          %add3A_323 = arith.addi %add3A_72, %add3A_322 : i32
          %mul3A_324 = arith.constant 5243 : i32
          %mul3A_325 = arith.muli %add3A_323, %mul3A_324 : i32
          %shift_right_arithmetic3A_326 = arith.constant 18 : i32
          %shift_right_arithmetic3A_327 = arith.shrsi %mul3A_325, %shift_right_arithmetic3A_326 : i32
          %mul3A_328 = arith.constant 50 : i32
          %mul3A_329 = arith.muli %shift_right_arithmetic3A_327, %mul3A_328 : i32
          %sub3A_330 = arith.subi %add3A_323, %mul3A_329 : i32
          %slice3A_331 = vector.extract_strided_slice %get3A_74 {offsets = [12], sizes = [1], strides = [1]} : vector<16xi32> to vector<1xi32>
          %squeeze3A_332 = vector.extract %slice3A_331[0] : i32 from vector<1xi32>
          %dma_start3A_333 = arith.constant 0 : i32
          %dma_start3A_334 = tpu.memref_slice %arg7[%shift_right_arithmetic3A_327, %sub3A_330, %dma_start3A_333] : memref<8x50x64xf32, #tpu.memory_space<vmem>> -> memref<1x1x64xf32, #tpu.memory_space<vmem>>
          %dma_start3A_335 = tpu.memref_squeeze %dma_start3A_334 : memref<1x1x64xf32, #tpu.memory_space<vmem>> -> memref<1x64xf32, #tpu.memory_space<vmem>>
          %dma_start3A_336 = arith.constant 0 : i32
          %dma_start3A_337 = tpu.memref_slice %arg2[%squeeze3A_332, %dma_start3A_336] : memref<1000000x64xf32, #tpu.memory_space<hbm>> -> memref<1x64xf32, #tpu.memory_space<hbm>>
          %dma_start3A_338 = arith.constant 0 : i32
          %dma_start3A_339 = tpu.memref_slice %arg7[%shift_right_arithmetic3A_327, %sub3A_330, %dma_start3A_338] : memref<8x50x64xf32, #tpu.memory_space<vmem>> -> memref<1x1x64xf32, #tpu.memory_space<vmem>>
          %dma_start3A_340 = tpu.memref_squeeze %dma_start3A_339 : memref<1x1x64xf32, #tpu.memory_space<vmem>> -> memref<1x64xf32, #tpu.memory_space<vmem>>
          %dma_start3A_341 = arith.constant 0 : i32
          %dma_start3A_342 = tpu.memref_slice %arg2[%squeeze3A_332, %dma_start3A_341] : memref<1000000x64xf32, #tpu.memory_space<hbm>> -> memref<1x64xf32, #tpu.memory_space<hbm>>
          tpu.enqueue_dma source(%dma_start3A_342 : memref<1x64xf32, #tpu.memory_space<hbm>>) target(%dma_start3A_340 : memref<1x64xf32, #tpu.memory_space<vmem>>) target_semaphore(%arg9 : memref<!tpu.dma_semaphore, #tpu.memory_space<semaphore_mem>>)
          %add3A_343 = arith.constant 13 : i32
          %add3A_344 = arith.addi %add3A_72, %add3A_343 : i32
          %mul3A_345 = arith.constant 5243 : i32
          %mul3A_346 = arith.muli %add3A_344, %mul3A_345 : i32
          %shift_right_arithmetic3A_347 = arith.constant 18 : i32
          %shift_right_arithmetic3A_348 = arith.shrsi %mul3A_346, %shift_right_arithmetic3A_347 : i32
          %mul3A_349 = arith.constant 50 : i32
          %mul3A_350 = arith.muli %shift_right_arithmetic3A_348, %mul3A_349 : i32
          %sub3A_351 = arith.subi %add3A_344, %mul3A_350 : i32
          %slice3A_352 = vector.extract_strided_slice %get3A_74 {offsets = [13], sizes = [1], strides = [1]} : vector<16xi32> to vector<1xi32>
          %squeeze3A_353 = vector.extract %slice3A_352[0] : i32 from vector<1xi32>
          %dma_start3A_354 = arith.constant 0 : i32
          %dma_start3A_355 = tpu.memref_slice %arg7[%shift_right_arithmetic3A_348, %sub3A_351, %dma_start3A_354] : memref<8x50x64xf32, #tpu.memory_space<vmem>> -> memref<1x1x64xf32, #tpu.memory_space<vmem>>
          %dma_start3A_356 = tpu.memref_squeeze %dma_start3A_355 : memref<1x1x64xf32, #tpu.memory_space<vmem>> -> memref<1x64xf32, #tpu.memory_space<vmem>>
          %dma_start3A_357 = arith.constant 0 : i32
          %dma_start3A_358 = tpu.memref_slice %arg2[%squeeze3A_353, %dma_start3A_357] : memref<1000000x64xf32, #tpu.memory_space<hbm>> -> memref<1x64xf32, #tpu.memory_space<hbm>>
          %dma_start3A_359 = arith.constant 0 : i32
          %dma_start3A_360 = tpu.memref_slice %arg7[%shift_right_arithmetic3A_348, %sub3A_351, %dma_start3A_359] : memref<8x50x64xf32, #tpu.memory_space<vmem>> -> memref<1x1x64xf32, #tpu.memory_space<vmem>>
          %dma_start3A_361 = tpu.memref_squeeze %dma_start3A_360 : memref<1x1x64xf32, #tpu.memory_space<vmem>> -> memref<1x64xf32, #tpu.memory_space<vmem>>
          %dma_start3A_362 = arith.constant 0 : i32
          %dma_start3A_363 = tpu.memref_slice %arg2[%squeeze3A_353, %dma_start3A_362] : memref<1000000x64xf32, #tpu.memory_space<hbm>> -> memref<1x64xf32, #tpu.memory_space<hbm>>
          tpu.enqueue_dma source(%dma_start3A_363 : memref<1x64xf32, #tpu.memory_space<hbm>>) target(%dma_start3A_361 : memref<1x64xf32, #tpu.memory_space<vmem>>) target_semaphore(%arg9 : memref<!tpu.dma_semaphore, #tpu.memory_space<semaphore_mem>>)
          %add3A_364 = arith.constant 14 : i32
          %add3A_365 = arith.addi %add3A_72, %add3A_364 : i32
          %mul3A_366 = arith.constant 5243 : i32
          %mul3A_367 = arith.muli %add3A_365, %mul3A_366 : i32
          %shift_right_arithmetic3A_368 = arith.constant 18 : i32
          %shift_right_arithmetic3A_369 = arith.shrsi %mul3A_367, %shift_right_arithmetic3A_368 : i32
          %mul3A_370 = arith.constant 50 : i32
          %mul3A_371 = arith.muli %shift_right_arithmetic3A_369, %mul3A_370 : i32
          %sub3A_372 = arith.subi %add3A_365, %mul3A_371 : i32
          %slice3A_373 = vector.extract_strided_slice %get3A_74 {offsets = [14], sizes = [1], strides = [1]} : vector<16xi32> to vector<1xi32>
          %squeeze3A_374 = vector.extract %slice3A_373[0] : i32 from vector<1xi32>
          %dma_start3A_375 = arith.constant 0 : i32
          %dma_start3A_376 = tpu.memref_slice %arg7[%shift_right_arithmetic3A_369, %sub3A_372, %dma_start3A_375] : memref<8x50x64xf32, #tpu.memory_space<vmem>> -> memref<1x1x64xf32, #tpu.memory_space<vmem>>
          %dma_start3A_377 = tpu.memref_squeeze %dma_start3A_376 : memref<1x1x64xf32, #tpu.memory_space<vmem>> -> memref<1x64xf32, #tpu.memory_space<vmem>>
          %dma_start3A_378 = arith.constant 0 : i32
          %dma_start3A_379 = tpu.memref_slice %arg2[%squeeze3A_374, %dma_start3A_378] : memref<1000000x64xf32, #tpu.memory_space<hbm>> -> memref<1x64xf32, #tpu.memory_space<hbm>>
          %dma_start3A_380 = arith.constant 0 : i32
          %dma_start3A_381 = tpu.memref_slice %arg7[%shift_right_arithmetic3A_369, %sub3A_372, %dma_start3A_380] : memref<8x50x64xf32, #tpu.memory_space<vmem>> -> memref<1x1x64xf32, #tpu.memory_space<vmem>>
          %dma_start3A_382 = tpu.memref_squeeze %dma_start3A_381 : memref<1x1x64xf32, #tpu.memory_space<vmem>> -> memref<1x64xf32, #tpu.memory_space<vmem>>
          %dma_start3A_383 = arith.constant 0 : i32
          %dma_start3A_384 = tpu.memref_slice %arg2[%squeeze3A_374, %dma_start3A_383] : memref<1000000x64xf32, #tpu.memory_space<hbm>> -> memref<1x64xf32, #tpu.memory_space<hbm>>
          tpu.enqueue_dma source(%dma_start3A_384 : memref<1x64xf32, #tpu.memory_space<hbm>>) target(%dma_start3A_382 : memref<1x64xf32, #tpu.memory_space<vmem>>) target_semaphore(%arg9 : memref<!tpu.dma_semaphore, #tpu.memory_space<semaphore_mem>>)
          %add3A_385 = arith.constant 15 : i32
          %add3A_386 = arith.addi %add3A_72, %add3A_385 : i32
          %mul3A_387 = arith.constant 5243 : i32
          %mul3A_388 = arith.muli %add3A_386, %mul3A_387 : i32
          %shift_right_arithmetic3A_389 = arith.constant 18 : i32
          %shift_right_arithmetic3A_390 = arith.shrsi %mul3A_388, %shift_right_arithmetic3A_389 : i32
          %mul3A_391 = arith.constant 50 : i32
          %mul3A_392 = arith.muli %shift_right_arithmetic3A_390, %mul3A_391 : i32
          %sub3A_393 = arith.subi %add3A_386, %mul3A_392 : i32
          %slice3A_394 = vector.extract_strided_slice %get3A_74 {offsets = [15], sizes = [1], strides = [1]} : vector<16xi32> to vector<1xi32>
          %squeeze3A_395 = vector.extract %slice3A_394[0] : i32 from vector<1xi32>
          %dma_start3A_396 = arith.constant 0 : i32
          %dma_start3A_397 = tpu.memref_slice %arg7[%shift_right_arithmetic3A_390, %sub3A_393, %dma_start3A_396] : memref<8x50x64xf32, #tpu.memory_space<vmem>> -> memref<1x1x64xf32, #tpu.memory_space<vmem>>
          %dma_start3A_398 = tpu.memref_squeeze %dma_start3A_397 : memref<1x1x64xf32, #tpu.memory_space<vmem>> -> memref<1x64xf32, #tpu.memory_space<vmem>>
          %dma_start3A_399 = arith.constant 0 : i32
          %dma_start3A_400 = tpu.memref_slice %arg2[%squeeze3A_395, %dma_start3A_399] : memref<1000000x64xf32, #tpu.memory_space<hbm>> -> memref<1x64xf32, #tpu.memory_space<hbm>>
          %dma_start3A_401 = arith.constant 0 : i32
          %dma_start3A_402 = tpu.memref_slice %arg7[%shift_right_arithmetic3A_390, %sub3A_393, %dma_start3A_401] : memref<8x50x64xf32, #tpu.memory_space<vmem>> -> memref<1x1x64xf32, #tpu.memory_space<vmem>>
          %dma_start3A_403 = tpu.memref_squeeze %dma_start3A_402 : memref<1x1x64xf32, #tpu.memory_space<vmem>> -> memref<1x64xf32, #tpu.memory_space<vmem>>
          %dma_start3A_404 = arith.constant 0 : i32
          %dma_start3A_405 = tpu.memref_slice %arg2[%squeeze3A_395, %dma_start3A_404] : memref<1000000x64xf32, #tpu.memory_space<hbm>> -> memref<1x64xf32, #tpu.memory_space<hbm>>
          tpu.enqueue_dma source(%dma_start3A_405 : memref<1x64xf32, #tpu.memory_space<hbm>>) target(%dma_start3A_403 : memref<1x64xf32, #tpu.memory_space<vmem>>) target_semaphore(%arg9 : memref<!tpu.dma_semaphore, #tpu.memory_space<semaphore_mem>>)
        }
        %scan3A_67 = arith.constant 25 : i32
      } else {
      }
      %add3A_45 = arith.constant 1 : i32
      %add3A_46 = arith.addi %add3A_20, %add3A_45 : i32
      %dma_wait3A_47 = arith.constant 0 : i32
      %dma_wait3A_48 = arith.constant 0 : i32
      %dma_wait3A_49 = arith.constant 0 : i32
      %dma_wait3A_50 = tpu.memref_slice %arg4[%dma_wait3A_47, %dma_wait3A_48, %dma_wait3A_49] : memref<4096x50x64xf32, #tpu.memory_space<hbm>> -> memref<8x50x64xf32, #tpu.memory_space<hbm>>
      %dma_wait3A_51 = arith.constant 0 : i32
      %dma_wait3A_52 = arith.constant 0 : i32
      %dma_wait3A_53 = arith.constant 0 : i32
      %dma_wait3A_54 = tpu.memref_slice %arg4[%dma_wait3A_51, %dma_wait3A_52, %dma_wait3A_53] : memref<4096x50x64xf32, #tpu.memory_space<hbm>> -> memref<8x50x64xf32, #tpu.memory_space<hbm>>
      tpu.wait_dma2 semaphore(%arg10 : memref<!tpu.dma_semaphore, #tpu.memory_space<semaphore_mem>>) src(%dma_wait3A_54 : memref<8x50x64xf32, #tpu.memory_space<hbm>>) dst(%arg8 : memref<8x50x64xf32, #tpu.memory_space<vmem>>)
      %mul3A_55 = arith.constant 8 : i32
      %mul3A_56 = arith.muli %add3A_46, %mul3A_55 : i32
      %add3A_57 = arith.addi %mul3A_4, %mul3A_56 : i32
      "tpu.region"() ({
        %run_scoped3A = tpu.sem_alloc : memref<!tpu.dma_semaphore, #tpu.memory_space<semaphore_mem>>
        %dma_start3A = arith.constant 0 : i32
        %dma_start3A_58 = arith.constant 0 : i32
        %dma_start3A_59 = tpu.memref_slice %arg4[%add3A_57, %dma_start3A, %dma_start3A_58] : memref<4096x50x64xf32, #tpu.memory_space<hbm>> -> memref<8x50x64xf32, #tpu.memory_space<hbm>>
        %dma_start3A_60 = arith.constant 0 : i32
        %dma_start3A_61 = arith.constant 0 : i32
        %dma_start3A_62 = tpu.memref_slice %arg4[%add3A_57, %dma_start3A_60, %dma_start3A_61] : memref<4096x50x64xf32, #tpu.memory_space<hbm>> -> memref<8x50x64xf32, #tpu.memory_space<hbm>>
        tpu.enqueue_dma source(%arg8 : memref<8x50x64xf32, #tpu.memory_space<vmem>>) target(%dma_start3A_62 : memref<8x50x64xf32, #tpu.memory_space<hbm>>) target_semaphore(%run_scoped3A : memref<!tpu.dma_semaphore, #tpu.memory_space<semaphore_mem>>)
        %dma_wait3A_63 = arith.constant 0 : i32
        %dma_wait3A_64 = arith.constant 0 : i32
        %dma_wait3A_65 = tpu.memref_slice %arg4[%add3A_57, %dma_wait3A_63, %dma_wait3A_64] : memref<4096x50x64xf32, #tpu.memory_space<hbm>> -> memref<8x50x64xf32, #tpu.memory_space<hbm>>
        %dma_wait3A_66 = arith.constant 0 : i32
        %dma_wait3A_67 = arith.constant 0 : i32
        %dma_wait3A_68 = tpu.memref_slice %arg4[%add3A_57, %dma_wait3A_66, %dma_wait3A_67] : memref<4096x50x64xf32, #tpu.memory_space<hbm>> -> memref<8x50x64xf32, #tpu.memory_space<hbm>>
        tpu.wait_dma2 semaphore(%run_scoped3A : memref<!tpu.dma_semaphore, #tpu.memory_space<semaphore_mem>>) src(%arg8 : memref<8x50x64xf32, #tpu.memory_space<vmem>>) dst(%dma_wait3A_68 : memref<8x50x64xf32, #tpu.memory_space<hbm>>)
        tpu.yield
      }) : () -> ()
    }
    %scan3A_15 = arith.constant 8 : i32
    return
  }
}

</mosaic_0001>

<sc_bundles>
// kernel: kernel.3.cloned.1.call-start
scs
__scs_entry_jumppad:
0x0: {  	(pc) =	sbr.rel $0x88, $3  }
0x1: {  	(tag) =	ssettag $0x0;
	lr =	simm.s32 $0x1  }
0x2: {  	[smem:$0x3F9F] =	sst lr;
	_ =	strace $0xD0000000  }
0x3: {  	_ = 	snop  }
0x4: {  	_ = 	snop  }
0x5: {  	_ = 	snop  }
0x6: {  	_ = 	snop  }
0x7: {  	_ = 	snop  }
__scs_overlays_trampoline_lowered:
0x8: {  	[smem:$0x3FAE] =	sst s0  }
0x9: {  	[smem:$0x3FAF] =	sst s1  }
0xa: {  	[smem:$0x3FB0] =	sst s2  }
0xb: {  	[smem:$0x3FB1] =	sst s3  }
0xc: {  	[smem:$0x3FB2] =	sst s4  }
0xd: {  	[smem:$0x3FB3] =	sst s5  }
0xe: {  	[smem:$0x3FB4] =	sst s6  }
0xf: {  	[smem:$0x3FB5] =	sst s7  }
0x10: {  	[smem:$0x3FB6] =	sst s8  }
0x11: {  	[smem:$0x3FB7] =	sst s9;
	s0 =	simm.s32 @!p0 $0x0  }
0x12: {  	s1 =	sld [smem:$0x3F9D];
	s0 =	simm.s32 @p0 $0x1  }
0x13: {  	[smem:$0x3FB8] =	sst s0;
	s0 =	simm.s32 @!p1 $0x0  }
0x14: {  	s2 =	sld [smem:$0x3F9C];
	s0 =	simm.s32 @p1 $0x1  }
0x15: {  	[smem:$0x3FB9] =	sst s0;
	s0 =	simm.s32 @!p2 $0x0  }
0x16: {  	s3 =	sld [smem:$0x3FDB];
	s0 =	simm.s32 @p2 $0x1  }
0x17: {  	s4 =	simm.s32 $0x1BF5;
	[smem:$0x3FBB] =	sst s0  }
0x18: {  	s0 =	sld [smem:$0x3F9E];
	_ =	swait.ge [sflag:s4], $0x0  }
0x19: {  	s7 =	sld [smem:$0x3F9F]  }
0x1a: {  	s8 =	sadd.s32 $0xFFFFE003, lr  }
0x1b: {  	s9 =	sadd.s32 $0xFFFFFEF7, lr;
	s5 =	simm.s32 $0xFFFFFFFF;
	p2 =	slt.u32 s8, $0xFFFFF086  }
0x1c: {  	p1 =	slt.u32 s9, $0xF7A;
	s5 =	simm.s32 @!p2 $0x0  }
0x1d: {  	s5 =	simm.s32 @p1 $0x1;
	p0 =	seq.s32 s7, s2  }
0x1e: {  	s7 =	smul.u32 @!p0 $0xF7A, s2;
	p2 =	seq.s32 @!p0 s5, $0x0  }
0x1f: {  	s9 =	smul.u32 $0xF7A, s1;
	s8 =	simm.s32 @!p0 $0x1BF5;
	p2 =	por !p2, p0  }
0x20: {  	[sflag:s8] =	ssyncset.s32 @!p0 $0xFFFFF086;
	s6 =	sadd.s32 @!p0 s3, s7;
	s7 =	simm.s32 @!p0 $0x108  }
0x21: {  	s3 =	sadd.s32 s3, s9;
	s6 =	sadd.s32 @!p0 $0x88, s6;
	s7 =	simm.s32 @p2 $0x1082  }
0x22: {  	[simem:s7], [sflag:s8] =	dma.local @!p0 [hbm:s6], $0xF7A  }
0x23: {  	s9 =	sor.u32 $0xD0000000, s2;
	s6 =	simm.s32 $0x108;
	_ =	swait.ge @!p0 [sflag:s8], $0x0  }
0x24: {  	s3 =	sadd.s32 $0x88, s3;
	s6 =	simm.s32 @!p1 $0x1082;
	[sflag:s4] =	ssyncset.s32 $0xFFFFF086  }
0x25: {  	[simem:s6], [sflag:s4] =	dma.local [hbm:s3], $0xF7A  }
0x26: {  	[smem:$0x3F9F] =	sst s1;
	(tag) =	ssettag s2;
	_ =	strace s9  }
0x27: {  	s1 =	sld [smem:$0x3FAF]  }
0x28: {  	s2 =	sld [smem:$0x3FB0]  }
0x29: {  	s4 =	sld [smem:$0x3FB2]  }
0x2a: {  	p0 =	seq.s32 s5, $0x0;
	s5 =	sld [smem:$0x3FB3]  }
0x2b: {  	s6 =	sld [smem:$0x3FB4]  }
0x2c: {  	s7 =	sld [smem:$0x3FB5]  }
0x2d: {  	s3 =	simm.s32 $0x108;
	s8 =	sld [smem:$0x3FB6]  }
0x2e: {  	s3 =	simm.s32 @!p0 $0x1082;
	s9 =	sld [smem:$0x3FB7]  }
0x2f: {  	lr =	sadd.s32 s0, s3;
	s0 =	sld [smem:$0x3FAE]  }
0x30: {  	s3 =	sld [smem:$0x3FB1]  }
0x31: {  	[smem:$0x3FBA] =	sst s10  }
0x32: {  	s10 =	sld [smem:$0x3FB8];
	_ =	sdelay $0x3  }
0x33: {  	p0 =	seq.s32 s10, $0x1;
	s10 =	sld [smem:$0x3FBA];
	_ =	sdelay $0x3  }
0x34: {  	[smem:$0x3FBA] =	sst s10  }
0x35: {  	s10 =	sld [smem:$0x3FB9];
	_ =	sdelay $0x3  }
0x36: {  	p1 =	seq.s32 s10, $0x1;
	s10 =	sld [smem:$0x3FBA];
	_ =	sdelay $0x3  }
0x37: {  	[smem:$0x3FBA] =	sst s10  }
0x38: {  	s10 =	sld [smem:$0x3FBB]  }
0x39: {  	_ = 	snop;
	(pc) =	sbr.ind lr, $3  }
0x3a: {  	_ = 	snop  }
0x3b: {  	_ = 	snop  }
0x3c: {  	p2 =	seq.s32 s10, $0x1;
	s10 =	sld [smem:$0x3FBA]  }
0x3d: {  	_ =	shalt  }
0x3e: {  	_ =	shalt  }
0x3f: {  	_ =	shalt  }
0x40: {  	_ =	shalt  }
0x41: {  	_ =	shalt  }
0x42: {  	_ =	shalt  }
0x43: {  	_ =	shalt  }
0x44: {  	_ =	shalt  }
0x45: {  	_ =	shalt  }
0x46: {  	_ =	shalt  }
0x47: {  	_ =	shalt  }
0x48: {  	_ =	shalt  }
0x49: {  	_ =	shalt  }
0x4a: {  	_ =	shalt  }
0x4b: {  	_ =	shalt  }
0x4c: {  	_ =	shalt  }
0x4d: {  	_ =	shalt  }
0x4e: {  	_ =	shalt  }
0x4f: {  	_ =	shalt  }
0x50: {  	_ =	shalt  }
0x51: {  	_ =	shalt  }
0x52: {  	_ =	shalt  }
0x53: {  	_ =	shalt  }
0x54: {  	_ =	shalt  }
0x55: {  	_ =	shalt  }
0x56: {  	_ =	shalt  }
0x57: {  	_ =	shalt  }
0x58: {  	_ =	shalt  }
0x59: {  	_ =	shalt  }
0x5a: {  	_ =	shalt  }
0x5b: {  	_ =	shalt  }
0x5c: {  	_ =	shalt  }
0x5d: {  	_ =	shalt  }
0x5e: {  	_ =	shalt  }
0x5f: {  	_ =	shalt  }
0x60: {  	_ =	shalt  }
0x61: {  	_ =	shalt  }
0x62: {  	_ =	shalt  }
0x63: {  	_ =	shalt  }
0x64: {  	_ =	shalt  }
0x65: {  	_ =	shalt  }
0x66: {  	_ =	shalt  }
0x67: {  	_ =	shalt  }
0x68: {  	_ =	shalt  }
0x69: {  	_ =	shalt  }
0x6a: {  	_ =	shalt  }
0x6b: {  	_ =	shalt  }
0x6c: {  	_ =	shalt  }
0x6d: {  	_ =	shalt  }
0x6e: {  	_ =	shalt  }
0x6f: {  	_ =	shalt  }
0x70: {  	_ =	shalt  }
0x71: {  	_ =	shalt  }
0x72: {  	_ =	shalt  }
0x73: {  	_ =	shalt  }
0x74: {  	_ =	shalt  }
0x75: {  	_ =	shalt  }
0x76: {  	_ =	shalt  }
0x77: {  	_ =	shalt  }
0x78: {  	_ =	shalt  }
0x79: {  	_ =	shalt  }
0x7a: {  	_ =	shalt  }
0x7b: {  	_ =	shalt  }
0x7c: {  	_ =	shalt  }
0x7d: {  	_ =	shalt  }
0x7e: {  	_ =	shalt  }
0x7f: {  	_ =	shalt  }
0x80: {  	_ =	shalt  }
0x81: {  	_ =	shalt  }
0x82: {  	_ =	shalt  }
0x83: {  	_ =	shalt  }
0x84: {  	_ =	shalt  }
0x85: {  	_ =	shalt  }
0x86: {  	_ =	shalt  }
0x87: {  	_ =	shalt  }
.Lfunc_end0:
.L_simem_size_0:
called_computation_lowered:
.L_overlay_start_0:
0x88: {  	s2 =	sld [smem:$0x3FD9]  }
0x89: {  	s3 =	sld [smem:$0x3FFE];
	_ =	sdelay $0x1  }
0x8a: {  	s1 =	srdreg.scid  }
0x8b: {  	s0 =	sand.u32 $0x1, s1  }
0x8c: {  	s17 =	sshll.u32 s0, $0xA;
	s2 =	sadd.s32 s3, s2  }
0x8d: {  	s2 =	sadd.s32 s2, s17  }
0x8e: {  	[smem:$0x3FC6] =	sst s2  }
0x8f: {  	_ = 	snop  }
0x90: {  	s2 =	sld [smem:$0x3FD0];
	(tm) =	ssettm $0x1  }
0x91: {  	s18 =	sld [smem:$0x3FFB];
	_ =	sdelay $0x3  }
0x92: {  	_ =	strace s18  }
0x93: {  	s3 =	sld [smem:$0x3FFC];
	_ =	sdelay $0x3  }
0x94: {  	_ =	strace s3  }
0x95: {  	s3 =	sld [smem:$0x3FFD];
	_ =	sdelay $0x3  }
0x96: {  	_ =	strace s3  }
0x97: {  	_ =	strace $0x8FFFFFFF  }
0x98: {  	s19 =	sld [smem:$0x3FDB];
	_ =	sdelay $0x1  }
0x99: {  	s4 =	simm.s32 $_scs_section_size  }
0x9a: {  	s5 =	simm.s32 $_size__tile_overlayer_lowered;
	s6 =	simm.s32 $_tile_overlayer_lowered  }
0x9b: {  	s22 =	simm.s32 $0x1BFF;
	s21 =	sshll.u32 s6, $0x1;
	s3 =	sadd.s32 s4, s19  }
0x9c: {  	s7 =	simm.s32 $0x0;
	s20 =	sshll.u32 s5, $0x1;
	s5 =	sadd.s32 s21, s3  }
0x9d: {  	[timem:s7], [sflag:s22] =	dma.local [hbm:s5], s20  }
0x9e: {  	_ =	swait.ge [sflag:s22], s20  }
0x9f: {  	s4 =	ssub.s32 $0x0, s20;
	[sflag:s22] =	ssyncset.done $0x0  }
0xa0: {  	[sflag:s22] =	ssyncadd.s32 s4;
	_ =	sdelay $0x1  }
0xa1: {  	s23 =	simm.s32 $0x1B8B  }
0xa2: {  	_ =	swait.ge [sflag:s23], $0x1  }
0xa3: {  	[sflag:s23] =	ssyncset.done $0x0  }
0xa4: {  	s25 =	simm.s32 $0x1B8E;
	s24 =	sld [smem:$0x3FFE];
	[sflag:s23] =	ssyncadd.s32 $0xFFFFFFFF  }
0xa5: {  	s26 =	simm.s32 $execute0_lowered;
	[smem:$0x3FD2] =	sst s25  }
0xa6: {  	s5 =	sshll.u32 s26, $0x1;
	_ =	strace $0x80000046;
	[dreg:$0x1] =	wrdreg $0xFFFFFFFF  }
0xa7: {  	s28 =	simm.s32 $_size_execute0_lowered;
	s3 =	sadd.s32 s3, s5;
	[dreg:$0x0] =	wrdreg $0x0  }
0xa8: {  	s5 =	sshll.u32 s28, $0x1;
	[dreg:$0x2] =	wrdreg s3  }
0xa9: {  	[dreg:$0x3] =	wrdreg s5  }
0xaa: {  	[dreg:$0x4] =	wrdreg $0xC0  }
0xab: {  	_ =	task [dreg:s7], $0x5FFFF  }
0xac: {  	[dreg:$0x1] =	wrdreg $0xFFFFFFFF  }
0xad: {  	[dreg:$0x0] =	wrdreg $0x60  }
0xae: {  	[dreg:$0x2] =	wrdreg s24  }
0xaf: {  	[dreg:$0x3] =	wrdreg s2  }
0xb0: {  	[dreg:$0x4] =	wrdreg $0x9  }
0xb1: {  	_ =	task.clear_ibuf [dreg:s7], $0x5FFFF;
	_ =	strace $0x90000046  }
0xb2: {  	s29 =	simm.s32 $0x9;
	_ =	strace $0x80000048  }
0xb3: {  	_ =	swait.ge [sflag:s29], $0x1  }
0xb4: {  	[sflag:s29] =	ssyncadd.s32 $0xFFFFFFFF  }
0xb5: {  	_ =	strace $0x90000048  }
0xb6: {  	_ =	sfence  }
0xb7: {  	s30 =	sld [smem:$0x0];
	_ =	sdelay $0x2  }
0xb8: {  	s31 =	sshll.u32 s1, $0xD;
	s1 =	sshrl.u32 s1, $0x2  }
0xb9: {  	s3 =	sand.u32 $0x4000, s31;
	s1 =	sadd.s32 s1, s30  }
0xba: {  	s0 =	sor.u32 s3, s0;
	s1 =	sshll.u32 s1, $0x11  }
0xbb: {  	s0 =	sor.u32 s1, s0  }
0xbc: {  	s0 =	sadd.s32 $0x8F2B, s0  }
0xbd: {  	[sflag:s0] =	ssyncadd.remote.s32 $0x1  }
0xbe: {  	_ =	sfence.sel $0xFFFF  }
0xbf: {  	[dreg:$0x0] =	wrdreg $0xFFFFFFFF;
	(pc) =	sbr.abs _section_cstart, $3  }
0xc0: {  	[dreg:$0x1] =	wrdreg $0xFFFFFFFF  }
0xc1: {  	_ =	task.clear_ibuf [dreg:s7], $0x2FFFF;
	_ =	strace $0x9FFFFFFF  }
0xc2: {  	(tm) =	ssettm $0x7FFFFFFF  }
0xc3: {  	_ =	shalt  }
tec
execute0_lowered:
.L_overlay_start_1:
0x0: {  	(tag) =	ssettag $0x1  }
0x1: {  	s0 =	rddreg [dreg:$0x0];
	s1 =	srdreg.scid  }
0x2: {  	s2 =	stileid.u32;
	s4 =	rddreg [dreg:$0x1];
	s22 =	simm.s32 $0x0  }
0x3: {  	s1 =	sand.u32 $0x1, s1;
	s2 =	sshll.u32 s2, $0x1;
	[smem:$0x7FF] =	sst s22  }
0x4: {  	s19 =	sadd.s32 $0x400, s0;
	s0 =	sadd.s32 $0xF42800, s0;
	s2 =	sor.u32 s1, s2  }
0x5: {  	s1 =	ssub.s32 $0x2, s1;
	_ =	strace $0x80000047;
	[smem:$0x7F8] =	sst s0  }
0x6: {  	[dreg:$0x3] =	wrdreg s19;
	s5 =	smul.u32 $0x1900, s2;
	s2 =	sshll.u32 s2, $0x7  }
.Ltmp0:
0x7: {  	s3 =	sshrl.u32 s1, $0x1;
	[smem:$0x7F9] =	sst s2;
	(pc) =	sbr.rel .LBB2_1-.Ltmp0, $4  }
0x8: {  	s29 =	ssub.s32 s1, s3;
	[smem:$0x7FB] =	sst s5;
	s31 =	sadd.s32 $0x320, s5  }
0x9: {  	s30 =	sshrl.u32 s5, $0x3;
	s0 =	smax.u32 s29, $0x1;
	[smem:$0x7FC] =	sst s31  }
0xa: {  	s1 =	sadd.s32 s4, s30;
	[smem:$0x7FD] =	sst s0  }
0xb: {  	s3 =	simm.s32 $0x3;
	[smem:$0x7FA] =	sst s1;
	s1 =	simm.s32 $0x0  }
.LBB2_11:
0xc: {  	s1 =	sld [smem:$0x7F3]  }
0xd: {  	s0 =	sld [smem:$0x7FD];
	_ =	sdelay $0x1  }
0xe: {  	s1 =	sadd.s32 $0x1, s1  }
0xf: {  	p0 =	sne.s32 s1, s0  }
.Ltmp1:
0x10: {  	_ = 	snop;
	(pc) =	sbr.rel @!p0 .LBB2_12-.Ltmp1, $2  }
0x11: {  	_ =	sdelay $0x2  }
0x12: {  	s22 =	simm.s32 $0x0  }
.LBB2_1:
0x13: {  	s0 =	sld [smem:$0x7FA];
	_ =	sdelay $0x1  }
0x14: {  	[smem:$0x7F3] =	sst s1  }
0x15: {  	[tilespmem:s22], [sflag:$0x3] =	stream.linear.gather [hbm4b:s0+s22], $0x190, $0x38;
	[tilespmem:$0x1C400] =	vst v63  }
0x16: {  	_ =	swait.ge [sflag:s3], $0x190  }
0x17: {  	[sflag:s3] =	ssyncset.done $0x0  }
0x18: {  	[sflag:s3] =	ssyncadd.s32 $0xFFFFFE70  }
0x19: {  	v0 =	vld [tilespmem:s22+$0x0]  }
0x1a: {  	s4 =	simm.s32 $0x147B0;
	s13 =	simm.s32 $0x0  }
0x1b: {  	s14 =	simm.s32 $0x0;
	s2 =	simm.s32 $0x15C2B;
	s15 =	simm.s32 $0x10  }
0x1c: {  	s16 =	simm.s32 $0x18521;
	s17 =	simm.s32 $0x0;
	s18 =	simm.s32 $0x170A6  }
0x1d: {  	s20 =	simm.s32 $0x0;
	s21 =	simm.s32 $0x1C292;
	s1 =	smul.u32 $0xC00, s14  }
0x1e: {  	s23 =	simm.s32 $0x0;
	s24 =	simm.s32 $0x0;
	s5 =	smul.u32 $0xC00, s20;
	v0 =	vshll.u32 v0, $0x4  }
0x1f: {  	s6 =	simm.s32 $0x0;
	s7 =	simm.s32 $0x0;
	s9 =	smul.u32 $0xC00, s24;
	(v2sf) =	vpush v0, $0x7  }
0x20: {  	s8 =	simm.s32 $0x0;
	s25 =	simm.s32 $0x0;
	s7 =	smul.u32 $0xC00, s7;
	(v2sf) =	vpush v0, $0x5  }
0x21: {  	s11 =	simm.s32 $0x0;
	s28 =	simm.s32 $0x2147E;
	s12 =	smul.u32 $0xC00, s25;
	(v2sf) =	vpush v0, $0x0  }
0x22: {  	s29 =	simm.s32 $0x2666A;
	s26 =	smul.u32 $0xC00, s6;
	s6 =	simm.s32 $0x0  }
0x23: {  	s14 =	simm.s32 $0x0;
	s25 =	smul.u32 $0xC00, s11;
	[dreg:$0xc] =	wrdreg s13;
	(v2sf) =	vpush v0, $0x2  }
0x24: {  	s20 =	simm.s32 $0x0;
	s8 =	smul.u32 $0xC00, s8;
	[dreg:$0x5] =	wrdreg s2  }
0x25: {  	s6 =	smul.u32 $0xC00, s6;
	s0 =	simm.s32 $0xB80;
	[dreg:$0x6] =	wrdreg s15;
	(v2sf) =	vpush v0, $0x3  }
0x26: {  	s5 =	sshrl.u32 s5, $0x2;
	s7 =	sshrl.u32 s7, $0x2;
	[dreg:$0x4] =	wrdreg s1;
	(v2sf) =	vpush v0, $0x1  }
0x27: {  	s24 =	sshrl.u32 s9, $0x2;
	s9 =	sshrl.u32 s25, $0x2;
	[dreg:$0x7] =	wrdreg s16;
	(v2sf) =	vpush v0, $0x4  }
0x28: {  	s8 =	sshrl.u32 s8, $0x2;
	[dreg:$0x8] =	wrdreg s18;
	s1 =	smul.u32 $0xC00, s17;
	(v2sf) =	vpush v0, $0x8  }
0x29: {  	[dreg:$0x9] =	wrdreg s21;
	s2 =	smul.u32 $0xC00, s23;
	s10 =	sadd.s32 $0xB80, s5  }
0x2a: {  	s17 =	sshrl.u32 s12, $0x2;
	s7 =	sadd.s32 $0xB80, s7;
	s9 =	sadd.s32 $0xB80, s9  }
0x2b: {  	s8 =	sadd.s32 $0xB80, s8;
	s6 =	sshrl.u32 s6, $0x2;
	s13 =	sadd.s32 $0xFFFFF880, s10  }
0x2c: {  	s15 =	sadd.s32 $0xB80, s17;
	s10 =	sshrl.u32 s26, $0x2;
	s7 =	sadd.s32 $0xFFFFFB00, s7  }
0x2d: {  	s9 =	sadd.s32 $0xFFFFFA00, s9;
	s6 =	sadd.s32 $0xB80, s6;
	s3 =	simm.s32 $0x0;
	(v2sf) =	vpush v0, $0x9  }
0x2e: {  	s5 =	sshrl.u32 s1, $0x2;
	[smem:$0x7F4] =	sst s7;
	s18 =	spop (v2sf)  }
0x2f: {  	s15 =	sadd.s32 $0xFFFFF900, s15;
	s1 =	smul.u32 $0xC00, s20;
	s16 =	spop (v2sf)  }
0x30: {  	s2 =	sshrl.u32 s2, $0x2;
	s31 =	sadd.s32 $0xB80, s5;
	s17 =	spop (v2sf)  }
0x31: {  	s5 =	rddreg [dreg:$0x3];
	s18 =	sand.u32 $0x1FFFFFF0, s18;
	s21 =	sand.u32 $0x1FFFFFF0, s17  }
0x32: {  	s20 =	sand.u32 $0x1FFFFFF0, s16;
	s23 =	spop (v2sf);
	s7 =	sadd.s32 s19, s21  }
0x33: {  	[tilespmem:s13], [sflag:$0x1] =	stream.linear.gather [hbm4b:s7+s22], $0x80, $0x38;
	[tilespmem:$0x1C400] =	vst v63  }
0x34: {  	(v2sf) =	vpush v0, $0x6;
	s26 =	spop (v2sf);
	s16 =	sand.u32 $0x1FFFFFF0, s23;
	s7 =	sadd.s32 $0xB80, s24  }
0x35: {  	(v2sf) =	vpush v0, $0xC;
	s13 =	spop (v2sf);
	s11 =	sand.u32 $0x1FFFFFF0, s26;
	s26 =	smul.u32 $0xC00, s14  }
0x36: {  	s12 =	sand.u32 $0x1FFFFFF0, s13;
	s17 =	spop (v2sf);
	s13 =	sadd.s32 s19, s16  }
0x37: {  	s16 =	sadd.s32 $0xFFFFFA80, s8;
	s12 =	sadd.s32 s19, s12;
	s21 =	spop (v2sf)  }
0x38: {  	[tilespmem:s15], [sflag:$0x1] =	stream.linear.gather [hbm4b:s12+s22], $0x80, $0x38;
	[tilespmem:$0x1C400] =	vst v63  }
0x39: {  	s8 =	sadd.s32 $0xFFFFFB80, s6;
	s6 =	rddreg [dreg:$0x3];
	s12 =	sand.u32 $0x1FFFFFF0, s21  }
0x3a: {  	(v2sf) =	vpush v0, $0xE;
	s7 =	sadd.s32 $0xFFFFF980, s7;
	s6 =	sadd.s32 s6, s20;
	s24 =	sadd.s32 s19, s12  }
0x3b: {  	(v2sf) =	vpush v0, $0xD;
	[tilespmem:s7], [sflag:$0x1] =	stream.linear.gather [hbm4b:s13+s22], $0x80, $0x38;
	[tilespmem:$0x1C400] =	vst v63  }
0x3c: {  	(v2sf) =	vpush v0, $0xA;
	s15 =	sand.u32 $0x1FFFFFF0, s17;
	s23 =	spop (v2sf);
	[smem:$0x7F5] =	sst s24  }
0x3d: {  	s17 =	sand.u32 $0x1FFFFFF0, s23;
	s23 =	sshrl.u32 s26, $0x2;
	s7 =	rddreg [dreg:$0x3]  }
0x3e: {  	s20 =	simm.s32 $0x1999C;
	s24 =	rddreg [dreg:$0x3];
	s26 =	sadd.s32 $0xB80, s23  }
0x3f: {  	s12 =	sshrl.u32 s1, $0x2;
	s13 =	sadd.s32 $0xB80, s2;
	[smem:$0x7F7] =	sst s26  }
0x40: {  	s23 =	simm.s32 $0x1EB88;
	s11 =	sadd.s32 s7, s11;
	s7 =	rddreg [dreg:$0x3]  }
0x41: {  	[tilespmem:s9], [sflag:$0x1] =	stream.linear.gather [hbm4b:s11+s22], $0x80, $0x38;
	[tilespmem:$0x1C400] =	vst v63  }
0x42: {  	s11 =	smul.u32 $0xC00, s3;
	s9 =	sadd.s32 $0xB80, s10;
	s10 =	simm.s32 $0x251EF  }
0x43: {  	s26 =	simm.s32 $0x228F9;
	[dreg:$0xf] =	wrdreg s10;
	s25 =	spop (v2sf)  }
0x44: {  	s10 =	simm.s32 $0x0;
	s19 =	sand.u32 $0x1FFFFFF0, s25;
	s14 =	spop (v2sf)  }
0x45: {  	s25 =	sadd.s32 s24, s15;
	s24 =	simm.s32 $0x1D70D;
	s21 =	sand.u32 $0x1FFFFFF0, s14  }
0x46: {  	[tilespmem:s16], [sflag:$0x1] =	stream.linear.gather [hbm4b:s25+s22], $0x80, $0x38;
	[tilespmem:$0x1C400] =	vst v63  }
0x47: {  	s14 =	sadd.s32 s5, s18;
	s5 =	sadd.s32 s7, s19;
	s19 =	rddreg [dreg:$0x3]  }
0x48: {  	s18 =	simm.s32 $0x1AE17;
	s22 =	simm.s32 $0x20003;
	s25 =	simm.s32 $0x23D74  }
0x49: {  	s16 =	simm.s32 $0x27AE5;
	[smem:$0x7F6] =	sst s21;
	s21 =	spop (v2sf)  }
0x4a: {  	s2 =	sadd.s32 s19, s17;
	[dreg:$0x10] =	wrdreg s16;
	s1 =	spop (v2sf)  }
0x4b: {  	(v2sf) =	vpush v0, $0xF;
	s17 =	simm.s32 $0x1380;
	s16 =	simm.s32 $0x0;
	s3 =	spop (v2sf)  }
0x4c: {  	(v2sf) =	vpush v0, $0xB;
	[dreg:$0x11] =	wrdreg s17;
	s30 =	sand.u32 $0x1FFFFFF0, s1;
	s15 =	sand.u32 $0x1FFFFFF0, s3  }
.LBB2_2:
0x4d: {  	s7 =	rddreg [dreg:$0x5]  }
0x4e: {  	s1 =	sld [smem:$0x7F4];
	s17 =	smov.u32 s7  }
0x4f: {  	[smem:$0x7EE] =	sst s17  }
0x50: {  	s7 =	sadd.s32 $0x147B0, s7;
	s17 =	rddreg [dreg:$0x7]  }
0x51: {  	[tilespmem:s1], [sflag:$0x1] =	stream.linear.gather [hbm4b:s6+s16], $0x80, $0x38;
	[tilespmem:$0x1C400] =	vst v63  }
0x52: {  	s13 =	sadd.s32 $0xFFFFFC00, s13;
	[dreg:$0x5] =	wrdreg s7;
	s3 =	smov.u32 s17  }
0x53: {  	s9 =	sadd.s32 $0xFFFFFD00, s9;
	s15 =	sadd.s32 s19, s15;
	[smem:$0x7ED] =	sst s3  }
0x54: {  	s6 =	smov.u32 s4;
	s17 =	sadd.s32 $0x147B0, s17;
	s3 =	rddreg [dreg:$0xc]  }
0x55: {  	[dreg:$0x7] =	wrdreg s17;
	s6 =	sshrl.u32 s6, $0x12;
	s1 =	smul.u32 $0xC00, s3  }
0x56: {  	[tilespmem:s8], [sflag:$0x1] =	stream.linear.gather [hbm4b:s5+s16], $0x80, $0x38;
	[tilespmem:$0x1C400] =	vst v63  }
0x57: {  	s8 =	sadd.s32 $0xFFFFFC80, s31;
	s31 =	rddreg [dreg:$0x11];
	s6 =	smul.u32 $0xC00, s6  }
0x58: {  	[tilespmem:s13], [sflag:$0x1] =	stream.linear.gather [hbm4b:s14+s16], $0x80, $0x38;
	[tilespmem:$0x1C400] =	vst v63  }
0x59: {  	p0 =	sne.s32 s4, $0x1EB880;
	s13 =	smul.u32 $0xC00, s10;
	s14 =	sld [smem:$0x7F5]  }
0x5a: {  	s1 =	sshrl.u32 s1, $0x2;
	s10 =	sadd.s32 $0x147B0, s4;
	s6 =	sshrl.u32 s6, $0x2  }
0x5b: {  	s1 =	sadd.s32 s1, s0;
	[dreg:$0x1a] =	wrdreg s10;
	s13 =	sshrl.u32 s13, $0x2  }
0x5c: {  	[tilespmem:s8], [sflag:$0x1] =	stream.linear.gather [hbm4b:s14+s16], $0x80, $0x38;
	[tilespmem:$0x1C400] =	vst v63  }
0x5d: {  	s10 =	sadd.s32 s12, s0;
	s12 =	sshrl.u32 s11, $0x2;
	s13 =	sadd.s32 s13, s0  }
0x5e: {  	s1 =	sadd.s32 $0xFFFFFD80, s1;
	s8 =	sadd.s32 $0xFFFFFE00, s13;
	s13 =	sadd.s32 $0xFFFFFE80, s10  }
0x5f: {  	[tilespmem:s9], [sflag:$0x1] =	stream.linear.gather [hbm4b:s2+s16], $0x80, $0x38;
	[tilespmem:$0x1C400] =	vst v63  }
0x60: {  	s10 =	rddreg [dreg:$0x4];
	s9 =	sand.u32 $0x1FFFFFF0, s21;
	s21 =	sshrl.u32 s28, $0x12  }
0x61: {  	s28 =	sadd.s32 $0x147B0, s28;
	s3 =	spop (v2sf);
	[dreg:$0xc] =	wrdreg s21  }
0x62: {  	s9 =	sadd.s32 s19, s9;
	s21 =	rddreg [dreg:$0xf];
	s14 =	spop (v2sf)  }
0x63: {  	[tilespmem:s1], [sflag:$0x1] =	stream.linear.gather [hbm4b:s15+s16], $0x80, $0x38;
	[tilespmem:$0x1C400] =	vst v63  }
0x64: {  	s3 =	sand.u32 $0x1FFFFFF0, s3;
	s15 =	sadd.s32 s12, s0;
	s14 =	sand.u32 $0x1FFFFFF0, s14  }
0x65: {  	s12 =	sadd.s32 s19, s3;
	s5 =	sadd.s32 s19, s14;
	s14 =	sld [smem:$0x7F6]  }
0x66: {  	[tilespmem:s8], [sflag:$0x1] =	stream.linear.gather [hbm4b:s5+s16], $0x80, $0x38;
	[tilespmem:$0x1C400] =	vst v63  }
0x67: {  	s3 =	smov.u32 s29;
	s29 =	sadd.s32 $0x147B0, s29;
	s8 =	sld [smem:$0x7F7]  }
0x68: {  	s5 =	sadd.s32 s19, s30;
	s30 =	rddreg [dreg:$0x10];
	s2 =	sadd.s32 s19, s14  }
0x69: {  	[tilespmem:s13], [sflag:$0x1] =	stream.linear.gather [hbm4b:s2+s16], $0x80, $0x38;
	[tilespmem:$0x1C400] =	vst v63  }
0x6a: {  	s14 =	rddreg [dreg:$0x6];
	s2 =	sadd.s32 $0xFFFFFF00, s15;
	s1 =	sadd.s32 $0xFFFFFF80, s8  }
0x6b: {  	[tilespmem:s2], [sflag:$0x1] =	stream.linear.gather [hbm4b:s5+s16], $0x80, $0x38;
	[tilespmem:$0x1C400] =	vst v63  }
0x6c: {  	s15 =	rddreg [dreg:$0x8];
	s8 =	smov.u32 s20;
	s5 =	sshrl.u32 s10, $0x2  }
0x6d: {  	[tilespmem:s1], [sflag:$0x1] =	stream.linear.gather [hbm4b:s9+s16], $0x80, $0x38;
	[tilespmem:$0x1C400] =	vst v63  }
0x6e: {  	s13 =	smov.u32 s26;
	s20 =	sadd.s32 $0x147B0, s20;
	s11 =	sadd.s32 s5, s0  }
0x6f: {  	[tilespmem:s11], [sflag:$0x1] =	stream.linear.gather [hbm4b:s12+s16], $0x80, $0x38;
	[tilespmem:$0x1C400] =	vst v63  }
0x70: {  	s26 =	sadd.s32 $0x147B0, s26;
	[smem:$0x7EF] =	sst s13;
	s13 =	sshrl.u32 s30, $0x12;
	v0 =	vld [tilespmem:s14+$0x0]  }
0x71: {  	s30 =	sadd.s32 $0x147B0, s30;
	s2 =	smov.u32 s15;
	s10 =	smov.u32 s23  }
0x72: {  	s15 =	sadd.s32 $0x147B0, s15;
	s23 =	sadd.s32 $0x147B0, s23;
	[dreg:$0x10] =	wrdreg s30  }
0x73: {  	s5 =	smov.u32 s18;
	s0 =	smov.u32 s31;
	[dreg:$0x8] =	wrdreg s15  }
0x74: {  	s18 =	sadd.s32 $0x147B0, s18;
	s10 =	sshrl.u32 s10, $0x12;
	s15 =	sld [smem:$0x7ED]  }
0x75: {  	s2 =	sshrl.u32 s2, $0x12;
	s31 =	sadd.s32 $0x800, s31;
	s9 =	smov.u32 s22;
	v0 =	vshll.u32 v0, $0x4  }
0x76: {  	s1 =	smov.u32 s25;
	s22 =	sadd.s32 $0x147B0, s22;
	s25 =	sadd.s32 $0x147B0, s25;
	(v2sf) =	vpush v0, $0x7  }
0x77: {  	s5 =	sshrl.u32 s5, $0x12;
	s2 =	smul.u32 $0xC00, s2;
	s6 =	sadd.s32 s6, s0;
	(v2sf) =	vpush v0, $0x5  }
0x78: {  	[dreg:$0x11] =	wrdreg s31;
	s9 =	sshrl.u32 s9, $0x12;
	s5 =	smul.u32 $0xC00, s5;
	(v2sf) =	vpush v0, $0x0  }
0x79: {  	s1 =	sshrl.u32 s1, $0x12;
	s16 =	rddreg [dreg:$0x9];
	s11 =	smov.u32 s24;
	(v2sf) =	vpush v0, $0x2  }
0x7a: {  	s12 =	smov.u32 s21;
	s24 =	sadd.s32 $0x147B0, s24;
	s9 =	smul.u32 $0xC00, s9;
	(v2sf) =	vpush v0, $0x3  }
0x7b: {  	s21 =	sadd.s32 $0x147B0, s21;
	s1 =	smul.u32 $0xC00, s1;
	s4 =	smov.u32 s16;
	(v2sf) =	vpush v0, $0x1  }
0x7c: {  	s14 =	sadd.s32 $0x10, s14;
	s16 =	sadd.s32 $0x147B0, s16;
	[dreg:$0xf] =	wrdreg s21;
	(v2sf) =	vpush v0, $0x4  }
0x7d: {  	s11 =	sshrl.u32 s11, $0x12;
	[dreg:$0x6] =	wrdreg s14;
	s14 =	smul.u32 $0xC00, s13;
	(v2sf) =	vpush v0, $0x8  }
0x7e: {  	s5 =	sshrl.u32 s5, $0x2;
	[dreg:$0x9] =	wrdreg s16;
	s13 =	smul.u32 $0xC00, s10;
	(v2sf) =	vpush v0, $0x9  }
0x7f: {  	s10 =	sshrl.u32 s8, $0x12;
	s16 =	sld [smem:$0x7EE];
	s21 =	smul.u32 $0xC00, s11;
	(v2sf) =	vpush v0, $0x6  }
0x80: {  	s8 =	sshrl.u32 s3, $0x12;
	s5 =	sadd.s32 s5, s0;
	[dreg:$0x4] =	wrdreg s14  }
0x81: {  	s10 =	smul.u32 $0xC00, s10;
	s14 =	sshrl.u32 s15, $0x12;
	[smem:$0x7F0] =	sst s21  }
0x82: {  	s21 =	sshrl.u32 s12, $0x12;
	s12 =	sshrl.u32 s4, $0x12;
	s15 =	sadd.s32 $0xFFFFF880, s6  }
0x83: {  	s4 =	sshrl.u32 s9, $0x2;
	s17 =	sshrl.u32 s16, $0x12;
	s11 =	smul.u32 $0xC00, s14  }
0x84: {  	s6 =	sadd.s32 $0xFFFFFB00, s5;
	[smem:$0x7F2] =	sst s4;
	s7 =	smul.u32 $0xC00, s17  }
0x85: {  	s30 =	sshrl.u32 s13, $0x2;
	[smem:$0x7F4] =	sst s6;
	s9 =	spop (v2sf)  }
0x86: {  	s6 =	sshrl.u32 s11, $0x2;
	s16 =	sshrl.u32 s7, $0x2;
	(v2sf) =	vpush v0, $0xC;
	s14 =	spop (v2sf)  }
0x87: {  	s7 =	sshrl.u32 s2, $0x2;
	s17 =	sadd.s32 s16, s0;
	s16 =	spop (v2sf)  }
0x88: {  	s31 =	sadd.s32 $0xFFFFF900, s17;
	s2 =	sand.u32 $0x1FFFFFF0, s9;
	s17 =	spop (v2sf)  }
0x89: {  	s13 =	sadd.s32 s7, s0;
	[smem:$0x7F1] =	sst s2;
	s2 =	spop (v2sf)  }
0x8a: {  	s5 =	sand.u32 $0x1FFFFFF0, s14;
	s9 =	sand.u32 $0x1FFFFFF0, s16;
	s3 =	spop (v2sf)  }
0x8b: {  	s14 =	sand.u32 $0x1FFFFFF0, s17;
	s11 =	sand.u32 $0x1FFFFFF0, s3;
	s7 =	spop (v2sf)  }
0x8c: {  	s4 =	sand.u32 $0x1FFFFFF0, s2;
	s3 =	sadd.s32 s19, s11;
	s17 =	spop (v2sf)  }
0x8d: {  	s16 =	sand.u32 $0x1FFFFFF0, s7;
	s11 =	sand.u32 $0x1FFFFFF0, s17;
	s2 =	spop (v2sf)  }
0x8e: {  	s17 =	smul.u32 $0xC00, s12;
	s7 =	sand.u32 $0x1FFFFFF0, s2;
	s12 =	spop (v2sf)  }
0x8f: {  	(v2sf) =	vpush v0, $0xE;
	s2 =	sshrl.u32 s1, $0x2;
	s1 =	sand.u32 $0x1FFFFFF0, s12;
	s12 =	sld [smem:$0x7EF]  }
0x90: {  	s8 =	smul.u32 $0xC00, s8;
	s10 =	sshrl.u32 s10, $0x2;
	s6 =	sadd.s32 s6, s0  }
0x91: {  	s6 =	sadd.s32 $0xFFFFFA00, s6;
	(v2sf) =	vpush v0, $0xD;
	s9 =	sadd.s32 s19, s9;
	s11 =	sadd.s32 s19, s11  }
0x92: {  	s19 =	sadd.s32 s10, s0;
	s10 =	sshrl.u32 s12, $0x12;
	s12 =	smov.u32 s29  }
0x93: {  	s29 =	smov.u32 s28;
	s28 =	smov.u32 s26;
	s26 =	smov.u32 s25  }
0x94: {  	s25 =	smov.u32 s24;
	s24 =	smov.u32 s23;
	s23 =	smov.u32 s22  }
0x95: {  	(v2sf) =	vpush v0, $0xA;
	s22 =	smov.u32 s20;
	s20 =	smov.u32 s18;
	s18 =	spop (v2sf)  }
0x96: {  	[smem:$0x7F5] =	sst s11;
	s17 =	sshrl.u32 s17, $0x2;
	s18 =	sand.u32 $0x1FFFFFF0, s18  }
0x97: {  	s19 =	sadd.s32 $0xFFFFFA80, s19;
	[smem:$0x7F6] =	sst s18;
	s18 =	sshrl.u32 s8, $0x2  }
0x98: {  	s11 =	smul.u32 $0xC00, s21;
	s17 =	sadd.s32 s17, s0;
	s18 =	sadd.s32 s18, s0  }
0x99: {  	[smem:$0x7F7] =	sst s18;
	s18 =	smov.u32 s20;
	s20 =	smov.u32 s22  }
0x9a: {  	s22 =	smov.u32 s23;
	s23 =	smov.u32 s24;
	s24 =	smov.u32 s25  }
0x9b: {  	s25 =	smov.u32 s26;
	s26 =	smov.u32 s28;
	s28 =	smov.u32 s29  }
0x9c: {  	s29 =	smov.u32 s12;
	s12 =	smov.u32 s2;
	s2 =	simm.s32 $0x0  }
0x9d: {  	[tilespmem:s15], [sflag:$0x1] =	stream.linear.gather [hbm4b:s9+s2], $0x80, $0x38;
	[tilespmem:$0x1C400] =	vst v63  }
0x9e: {  	s21 =	spop (v2sf);
	s8 =	sadd.s32 $0xFFFFFB80, s17;
	s15 =	sld [smem:$0x7F0]  }
0x9f: {  	[tilespmem:s31], [sflag:$0x1] =	stream.linear.gather [hbm4b:s3+s2], $0x80, $0x38;
	[tilespmem:$0x1C400] =	vst v63  }
0xa0: {  	s17 =	spop (v2sf);
	s9 =	sadd.s32 $0xFFFFF980, s13;
	s2 =	rddreg [dreg:$0x3]  }
0xa1: {  	s31 =	sadd.s32 s30, s0;
	s30 =	sand.u32 $0x1FFFFFF0, s17;
	s17 =	sld [smem:$0x7F2]  }
0xa2: {  	s3 =	simm.s32 $0x0;
	s2 =	sadd.s32 s2, s14;
	s14 =	rddreg [dreg:$0x3]  }
0xa3: {  	[tilespmem:s9], [sflag:$0x1] =	stream.linear.gather [hbm4b:s2+s3], $0x80, $0x38;
	[tilespmem:$0x1C400] =	vst v63  }
0xa4: {  	s13 =	sshrl.u32 s15, $0x2;
	s15 =	spop (v2sf);
	s9 =	rddreg [dreg:$0x3]  }
0xa5: {  	s13 =	sadd.s32 s13, s0;
	s2 =	sadd.s32 s14, s4;
	s14 =	sld [smem:$0x7F1]  }
0xa6: {  	[tilespmem:s6], [sflag:$0x1] =	stream.linear.gather [hbm4b:s2+s3], $0x80, $0x38;
	[tilespmem:$0x1C400] =	vst v63  }
.Ltmp2:
0xa7: {  	s15 =	sand.u32 $0x1FFFFFF0, s15;
	s6 =	rddreg [dreg:$0x3];
	(pc) =	sbr.rel @p0 .LBB2_2-.Ltmp2, $4  }
0xa8: {  	s4 =	rddreg [dreg:$0x1a];
	s2 =	sadd.s32 s6, s16;
	s16 =	simm.s32 $0x0  }
0xa9: {  	[tilespmem:s19], [sflag:$0x1] =	stream.linear.gather [hbm4b:s2+s16], $0x80, $0x38;
	[tilespmem:$0x1C400] =	vst v63  }
0xaa: {  	(v2sf) =	vpush v0, $0xF;
	s14 =	sadd.s32 s9, s14;
	s9 =	sadd.s32 s17, s0;
	s19 =	rddreg [dreg:$0x3]  }
0xab: {  	(v2sf) =	vpush v0, $0xB;
	s6 =	sadd.s32 s19, s5;
	s5 =	sadd.s32 s19, s1;
	s2 =	sadd.s32 s19, s7  }
0xac: {  	_ = 	snop  }
0xad: {  	s1 =	sld [smem:$0x7F4];
	_ =	sdelay $0x2  }
0xae: {  	[tilespmem:s1], [sflag:$0x1] =	stream.linear.gather [hbm4b:s6+s16], $0x80, $0x38;
	[tilespmem:$0x1C400] =	vst v63  }
0xaf: {  	s28 =	rddreg [dreg:$0xc];
	s3 =	sadd.s32 $0xFFFFFC00, s13  }
0xb0: {  	[tilespmem:s8], [sflag:$0x1] =	stream.linear.gather [hbm4b:s5+s16], $0x80, $0x38;
	[tilespmem:$0x1C400] =	vst v63  }
0xb1: {  	s29 =	sadd.s32 $0xFFFFFC80, s31;
	s7 =	sld [smem:$0x7F5];
	s1 =	smul.u32 $0xC00, s28  }
0xb2: {  	[tilespmem:s3], [sflag:$0x1] =	stream.linear.gather [hbm4b:s14+s16], $0x80, $0x38;
	[tilespmem:$0x1C400] =	vst v63  }
0xb3: {  	s31 =	smul.u32 $0xC00, s10;
	s17 =	sadd.s32 s12, s0;
	s1 =	sshrl.u32 s1, $0x2  }
0xb4: {  	[tilespmem:s29], [sflag:$0x1] =	stream.linear.gather [hbm4b:s7+s16], $0x80, $0x38;
	[tilespmem:$0x1C400] =	vst v63  }
0xb5: {  	s18 =	sshrl.u32 s11, $0x2;
	s8 =	sadd.s32 $0xFFFFFD00, s9;
	s1 =	sadd.s32 s1, s0  }
0xb6: {  	[tilespmem:s8], [sflag:$0x1] =	stream.linear.gather [hbm4b:s2+s16], $0x80, $0x38;
	[tilespmem:$0x1C400] =	vst v63  }
0xb7: {  	s1 =	sadd.s32 $0xFFFFFD80, s1;
	s14 =	sadd.s32 s19, s15;
	s4 =	spop (v2sf)  }
0xb8: {  	[tilespmem:s1], [sflag:$0x1] =	stream.linear.gather [hbm4b:s14+s16], $0x80, $0x38;
	[tilespmem:$0x1C400] =	vst v63  }
0xb9: {  	s22 =	sld [smem:$0x7F6];
	s10 =	sshrl.u32 s31, $0x2;
	s9 =	spop (v2sf)  }
0xba: {  	s24 =	sand.u32 $0x1FFFFFF0, s21;
	s2 =	sadd.s32 s10, s0;
	s13 =	sand.u32 $0x1FFFFFF0, s9  }
0xbb: {  	s15 =	sadd.s32 $0xFFFFFE00, s2;
	s3 =	sand.u32 $0x1FFFFFF0, s4;
	s4 =	sadd.s32 s19, s13  }
0xbc: {  	[tilespmem:s15], [sflag:$0x1] =	stream.linear.gather [hbm4b:s4+s16], $0x80, $0x38;
	[tilespmem:$0x1C400] =	vst v63  }
0xbd: {  	s20 =	sadd.s32 $0xFFFFFE80, s17;
	s23 =	sadd.s32 s18, s0;
	s2 =	sadd.s32 s19, s22  }
0xbe: {  	[tilespmem:s20], [sflag:$0x1] =	stream.linear.gather [hbm4b:s2+s16], $0x80, $0x38;
	[tilespmem:$0x1C400] =	vst v63  }
0xbf: {  	s26 =	sadd.s32 s19, s30;
	s25 =	sadd.s32 $0xFFFFFF00, s23;
	s28 =	sld [smem:$0x7F7]  }
0xc0: {  	[tilespmem:s25], [sflag:$0x1] =	stream.linear.gather [hbm4b:s26+s16], $0x80, $0x38;
	[tilespmem:$0x1C400] =	vst v63  }
.Ltmp3:
0xc1: {  	s5 =	simm.s32 $0x0;
	s29 =	rddreg [dreg:$0x4];
	(pc) =	sbr.rel .LBB2_4-.Ltmp3, $4  }
0xc2: {  	s1 =	sadd.s32 s19, s24;
	s4 =	sshrl.u32 s29, $0x2;
	s2 =	sadd.s32 $0xFFFFFF80, s28  }
0xc3: {  	[tilespmem:s2], [sflag:$0x1] =	stream.linear.gather [hbm4b:s1+s16], $0x80, $0x38;
	[tilespmem:$0x1C400] =	vst v63  }
0xc4: {  	s31 =	sadd.s32 s19, s3;
	s3 =	simm.s32 $0x3;
	s30 =	sadd.s32 s4, s0  }
0xc5: {  	[tilespmem:s30], [sflag:$0x1] =	stream.linear.gather [hbm4b:s31+s16], $0x80, $0x38;
	[tilespmem:$0x1C400] =	vst v63  }
.LBB2_10:
0xc6: {  	s0 =	sld [smem:$0x7E7]  }
0xc7: {  	s1 =	sld [smem:$0x7F9]  }
0xc8: {  	s15 =	simm.s32 $0x2  }
0xc9: {  	_ =	swait.ge [sflag:s15], $0xC800;
	s0 =	sshll.u32 s0, $0x3  }
0xca: {  	s16 =	sld [smem:$0x7F8];
	s0 =	sadd.s32 s1, s0  }
0xcb: {  	s0 =	smul.u32 $0x380, s0  }
0xcc: {  	[sflag:s15] =	ssyncset.done $0x0  }
0xcd: {  	s17 =	simm.s32 $0xE400;
	[sflag:s15] =	ssyncadd.s32 $0xFFFF3800;
	s0 =	sadd.s32 s16, s0  }
0xce: {  	[hbm4b:s0+s2] =	stream.linear.scatter [tilespmem:s17], [sflag:$0x3], $0x1900, $0x38;
	[tilespmem:$0x1C400] =	vst v63  }
0xcf: {  	s4 =	simm.s32 $0x10000;
	s18 =	sadd.s32 $0x380, s0  }
0xd0: {  	[hbm4b:s18+s2] =	stream.linear.scatter [tilespmem:s4], [sflag:$0x3], $0x1900, $0x38;
	[tilespmem:$0x1C400] =	vst v63  }
0xd1: {  	s21 =	simm.s32 $0x11C00;
	s20 =	sadd.s32 $0x700, s0  }
0xd2: {  	[hbm4b:s20+s2] =	stream.linear.scatter [tilespmem:s21], [sflag:$0x3], $0x1900, $0x38;
	[tilespmem:$0x1C400] =	vst v63  }
0xd3: {  	s23 =	simm.s32 $0x13800;
	s22 =	sadd.s32 $0xA80, s0  }
0xd4: {  	[hbm4b:s22+s2] =	stream.linear.scatter [tilespmem:s23], [sflag:$0x3], $0x1900, $0x38;
	[tilespmem:$0x1C400] =	vst v63  }
0xd5: {  	s25 =	simm.s32 $0x15400;
	s24 =	sadd.s32 $0xE00, s0  }
0xd6: {  	[hbm4b:s24+s2] =	stream.linear.scatter [tilespmem:s25], [sflag:$0x3], $0x1900, $0x38;
	[tilespmem:$0x1C400] =	vst v63  }
0xd7: {  	s28 =	simm.s32 $0x17000;
	s5 =	sadd.s32 $0x1, s5;
	s26 =	sadd.s32 $0x1180, s0  }
0xd8: {  	[hbm4b:s26+s2] =	stream.linear.scatter [tilespmem:s28], [sflag:$0x3], $0x1900, $0x38;
	[tilespmem:$0x1C400] =	vst v63  }
0xd9: {  	s30 =	simm.s32 $0x18C00;
	p0 =	sne.s32 s5, $0x8;
	s29 =	sadd.s32 $0x1500, s0  }
0xda: {  	[hbm4b:s29+s2] =	stream.linear.scatter [tilespmem:s30], [sflag:$0x3], $0x1900, $0x38;
	[tilespmem:$0x1C400] =	vst v63  }
.Ltmp4:
0xdb: {  	s31 =	simm.s32 $0x1A800;
	s0 =	sadd.s32 $0x1880, s0;
	(pc) =	sbr.rel @!p0 .LBB2_11-.Ltmp4, $4  }
0xdc: {  	[hbm4b:s0+s2] =	stream.linear.scatter [tilespmem:s31], [sflag:$0x3], $0x1900, $0x38;
	[tilespmem:$0x1C400] =	vst v63  }
0xdd: {  	_ =	swait.ge [sflag:s3], $0xC800  }
0xde: {  	[sflag:s3] =	ssyncset.done $0x0  }
0xdf: {  	s16 =	simm.s32 $0x0;
	[sflag:s3] =	ssyncadd.s32 $0xFFFF3800  }
.LBB2_4:
0xe0: {  	[smem:$0x7E6] =	sst s5  }
0xe1: {  	s0 =	sshllo.u32 s5, $0x1;
	s1 =	sld [smem:$0x7FB]  }
0xe2: {  	s12 =	rddreg [dreg:$0x1];
	s13 =	simm.s32 $0x200;
	s14 =	simm.s32 $0xEB80  }
0xe3: {  	s15 =	simm.s32 $0x0;
	s25 =	simm.s32 $0xF5C4;
	s2 =	simm.s32 $0x0  }
0xe4: {  	s21 =	simm.s32 $0x147B0;
	s4 =	simm.s32 $0x0;
	s6 =	simm.s32 $0x0  }
0xe5: {  	s17 =	simm.s32 $0x0;
	[smem:$0x7E7] =	sst s0;
	s0 =	smul.u32 $0x190, s0  }
0xe6: {  	s8 =	simm.s32 $0x0;
	s7 =	simm.s32 $0x0;
	s2 =	smul.u32 $0xC00, s2  }
0xe7: {  	s10 =	simm.s32 $0x0;
	s18 =	simm.s32 $0x0;
	s6 =	smul.u32 $0xC00, s6  }
0xe8: {  	s11 =	simm.s32 $0x0;
	s7 =	smul.u32 $0xC00, s7;
	s0 =	sadd.s32 s1, s0  }
0xe9: {  	s20 =	simm.s32 $0x0;
	s10 =	smul.u32 $0xC00, s10;
	s0 =	sshrl.u32 s0, $0x3  }
0xea: {  	s9 =	simm.s32 $0x0;
	s11 =	smul.u32 $0xC00, s11;
	s0 =	sadd.s32 s12, s0  }
0xeb: {  	[tilespmem:s13], [sflag:$0x3] =	stream.linear.gather [hbm4b:s0+s16], $0x190, $0x38;
	[tilespmem:$0x1C400] =	vst v63  }
0xec: {  	s28 =	simm.s32 $0x20003;
	s26 =	smul.u32 $0xC00, s8;
	_ =	swait.ge [sflag:s3], $0x190  }
0xed: {  	s29 =	simm.s32 $0x15C2B;
	s4 =	smul.u32 $0xC00, s4;
	[sflag:s3] =	ssyncset.done $0x0  }
0xee: {  	s30 =	simm.s32 $0x27AE5;
	s20 =	smul.u32 $0xC00, s20;
	[sflag:s3] =	ssyncadd.s32 $0xFFFFFE70  }
0xef: {  	s6 =	sshrl.u32 s6, $0x2;
	s1 =	smul.u32 $0xC00, s18;
	s10 =	sshrl.u32 s10, $0x2;
	v0 =	vld [tilespmem:s13+$0x0]  }
0xf0: {  	s7 =	sshrl.u32 s7, $0x2;
	s23 =	sshrl.u32 s11, $0x2;
	s2 =	sshrl.u32 s2, $0x2  }
0xf1: {  	s11 =	sshrl.u32 s4, $0x2;
	s4 =	sshrl.u32 s20, $0x2;
	s20 =	simm.s32 $0x1AE17  }
0xf2: {  	s6 =	sadd.s32 $0xEB80, s6;
	s22 =	sadd.s32 $0xEB80, s7;
	s24 =	sadd.s32 $0xEB80, s23  }
0xf3: {  	s31 =	sadd.s32 $0xEB80, s2;
	s4 =	sadd.s32 $0xEB80, s4;
	s12 =	sadd.s32 $0xEB80, s10  }
0xf4: {  	s1 =	sshrl.u32 s1, $0x2;
	s10 =	smul.u32 $0xC00, s9;
	s9 =	simm.s32 $0x2147E;
	v0 =	vshll.u32 v0, $0x4  }
0xf5: {  	s8 =	sadd.s32 $0xFFFFF880, s6;
	s0 =	smul.u32 $0xC00, s15;
	s16 =	simm.s32 $0x0;
	(v2sf) =	vpush v0, $0xC  }
0xf6: {  	s1 =	sadd.s32 $0xEB80, s1;
	s15 =	sadd.s32 $0xFFFFFA00, s12;
	[dreg:$0xa] =	wrdreg s14  }
0xf7: {  	s12 =	simm.s32 $0x1999C;
	[dreg:$0x1f] =	wrdreg s22;
	s1 =	sadd.s32 $0xFFFFF900, s1  }
0xf8: {  	s2 =	sshrl.u32 s10, $0x2;
	s10 =	simm.s32 $0x1C292;
	s14 =	simm.s32 $0x210  }
0xf9: {  	s22 =	sadd.s32 $0xFFFFFA80, s24;
	s5 =	sshrl.u32 s0, $0x2;
	[smem:$0x7E8] =	sst s1  }
0xfa: {  	s0 =	smul.u32 $0xC00, s17;
	s17 =	simm.s32 $0x0;
	[smem:$0x7EA] =	sst s15;
	(v2sf) =	vpush v0, $0x2  }
0xfb: {  	s2 =	sadd.s32 $0xEB80, s2;
	s15 =	simm.s32 $0x18521;
	[smem:$0x7EB] =	sst s22;
	(v2sf) =	vpush v0, $0x1  }
0xfc: {  	s22 =	simm.s32 $0x170A6;
	s1 =	simm.s32 $0x251EF;
	s3 =	smul.u32 $0xC00, s16;
	(v2sf) =	vpush v0, $0xA  }
0xfd: {  	s23 =	sadd.s32 $0xFFFFFB80, s2;
	s16 =	sadd.s32 $0xEB80, s5;
	s0 =	sshrl.u32 s0, $0x2;
	(v2sf) =	vpush v0, $0x7  }
0xfe: {  	s13 =	sadd.s32 $0xEB80, s11;
	s11 =	simm.s32 $0x1D70D;
	[smem:$0x7EC] =	sst s23;
	(v2sf) =	vpush v0, $0x5  }
0xff: {  	s23 =	simm.s32 $0xF380;
	s18 =	sadd.s32 $0xEB80, s0;
	s3 =	sshrl.u32 s3, $0x2;
	(v2sf) =	vpush v0, $0x3  }
0x100: {  	s0 =	sshrl.u32 s26, $0x2;
	s24 =	sadd.s32 $0xFFFFFE00, s13;
	s26 =	simm.s32 $0x0;
	(v2sf) =	vpush v0, $0x0  }
0x101: {  	s13 =	simm.s32 $0x1EB88;
	s3 =	sadd.s32 $0xEB80, s3;
	s0 =	sadd.s32 $0xEB80, s0;
	(v2sf) =	vpush v0, $0xF  }
0x102: {  	[dreg:$0x1b] =	wrdreg s24;
	s6 =	smul.u32 $0xC00, s26;
	s18 =	sadd.s32 $0xFFFFFC80, s18;
	(v2sf) =	vpush v0, $0x8  }
0x103: {  	s24 =	simm.s32 $0x2666A;
	s26 =	simm.s32 $0x23D74;
	[dreg:$0x1d] =	wrdreg s3;
	(v2sf) =	vpush v0, $0x4  }
0x104: {  	[smem:$0x7E9] =	sst s0;
	s3 =	simm.s32 $0x228F9;
	(v2sf) =	vpush v0, $0x6;
	s5 =	spop (v2sf)  }
.LBB2_5:
0x105: {  	[smem:$0x7E4] =	sst s16  }
0x106: {  	[dreg:$0x18] =	wrdreg s1  }
0x107: {  	[dreg:$0x14] =	wrdreg s3  }
0x108: {  	[dreg:$0xe] =	wrdreg s14  }
0x109: {  	[dreg:$0xd] =	wrdreg s9;
	s0 =	sand.u32 $0x1FFFFFF0, s5;
	s2 =	smov.u32 s21  }
0x10a: {  	s7 =	sadd.s32 $0x147B0, s21;
	p0 =	sne.s32 s21, $0x1EB880;
	s21 =	rddreg [dreg:$0x1d]  }
0x10b: {  	[smem:$0x7E2] =	sst s0  }
0x10c: {  	[smem:$0x7E3] =	sst s2  }
0x10d: {  	s9 =	smov.u32 s1;
	[dreg:$0x12] =	wrdreg s7  }
0x10e: {  	[dreg:$0x16] =	wrdreg s9  }
0x10f: {  	s14 =	sshrl.u32 s6, $0x2;
	s0 =	sshrl.u32 s25, $0x12;
	s9 =	sld [smem:$0x7E9]  }
0x110: {  	s2 =	sshrl.u32 s3, $0x12;
	[smem:$0x7DF] =	sst s14;
	s16 =	spop (v2sf)  }
0x111: {  	[smem:$0x7E5] =	sst s2;
	s7 =	sand.u32 $0x1FFFFFF0, s16;
	s16 =	spop (v2sf)  }
0x112: {  	s0 =	smul.u32 $0xC00, s0;
	s2 =	sadd.s32 $0xFFFFFD80, s9;
	s25 =	spop (v2sf)  }
0x113: {  	[smem:$0x7E1] =	sst s2;
	s1 =	sand.u32 $0x1FFFFFF0, s16;
	s3 =	sand.u32 $0x1FFFFFF0, s25  }
0x114: {  	s5 =	spop (v2sf);
	s25 =	smov.u32 s24;
	s24 =	smov.u32 s22  }
0x115: {  	s22 =	smov.u32 s20;
	s20 =	smov.u32 s13;
	s13 =	smov.u32 s31  }
0x116: {  	[smem:$0x7E0] =	sst s3;
	s6 =	sand.u32 $0x1FFFFFF0, s5;
	s14 =	spop (v2sf)  }
0x117: {  	s31 =	smov.u32 s12;
	[smem:$0x7DE] =	sst s6;
	s2 =	sand.u32 $0x1FFFFFF0, s14  }
0x118: {  	s16 =	spop (v2sf);
	s6 =	rddreg [dreg:$0x1f];
	s14 =	simm.s32 $0x0  }
0x119: {  	s12 =	sand.u32 $0x1FFFFFF0, s16;
	s5 =	spop (v2sf);
	s3 =	sadd.s32 $0xFFFFF980, s6  }
0x11a: {  	s6 =	smov.u32 s18;
	s9 =	sand.u32 $0x1FFFFFF0, s5;
	s5 =	spop (v2sf)  }
0x11b: {  	s16 =	smov.u32 s15;
	s15 =	smov.u32 s11;
	s18 =	spop (v2sf)  }
0x11c: {  	s11 =	smov.u32 s10;
	s9 =	sadd.s32 s19, s9;
	s10 =	spop (v2sf)  }
0x11d: {  	(v2sf) =	vpush v0, $0xD;
	[tilespmem:s8], [sflag:$0x2] =	stream.linear.gather [hbm4b:s9+s14], $0x80, $0x38;
	[tilespmem:$0x1C400] =	vst v63  }
0x11e: {  	s4 =	sadd.s32 $0xFFFFFB00, s4;
	s8 =	sand.u32 $0x1FFFFFF0, s10;
	s10 =	sld [smem:$0x7E8]  }
0x11f: {  	s17 =	smul.u32 $0xC00, s17;
	s21 =	sadd.s32 $0xFFFFFD00, s21;
	s0 =	sshrl.u32 s0, $0x2  }
0x120: {  	s7 =	sadd.s32 s19, s7;
	s1 =	sadd.s32 s19, s1;
	s9 =	spop (v2sf)  }
0x121: {  	(v2sf) =	vpush v0, $0xB;
	[tilespmem:s10], [sflag:$0x2] =	stream.linear.gather [hbm4b:s1+s14], $0x80, $0x38;
	[tilespmem:$0x1C400] =	vst v63  }
0x122: {  	s2 =	sadd.s32 s19, s2;
	s5 =	sand.u32 $0x1FFFFFF0, s5;
	(v2sf) =	vpush v0, $0x9;
	s9 =	sand.u32 $0x1FFFFFF0, s9  }
0x123: {  	[tilespmem:s3], [sflag:$0x2] =	stream.linear.gather [hbm4b:s7+s14], $0x80, $0x38;
	[tilespmem:$0x1C400] =	vst v63  }
0x124: {  	(v2sf) =	vpush v0, $0xE;
	s1 =	sshrl.u32 s30, $0x12;
	s3 =	sadd.s32 s19, s8;
	s8 =	sld [smem:$0x7EA]  }
0x125: {  	s10 =	sadd.s32 s19, s12;
	s1 =	smul.u32 $0xC00, s1;
	s7 =	sadd.s32 $0xFFFFFC00, s13  }
0x126: {  	s13 =	smov.u32 s20;
	s20 =	smov.u32 s22;
	s22 =	smov.u32 s24  }
0x127: {  	[tilespmem:s8], [sflag:$0x2] =	stream.linear.gather [hbm4b:s10+s14], $0x80, $0x38;
	[tilespmem:$0x1C400] =	vst v63  }
0x128: {  	s24 =	smov.u32 s25;
	s25 =	sld [smem:$0x7EB];
	s10 =	smov.u32 s11  }
0x129: {  	s11 =	smov.u32 s15;
	s15 =	smov.u32 s16;
	s16 =	sshrl.u32 s1, $0x2  }
0x12a: {  	s1 =	sshrl.u32 s17, $0x2;
	s17 =	sadd.s32 s19, s9;
	s9 =	sld [smem:$0x7DE]  }
0x12b: {  	[tilespmem:s25], [sflag:$0x2] =	stream.linear.gather [hbm4b:s3+s14], $0x80, $0x38;
	[tilespmem:$0x1C400] =	vst v63  }
0x12c: {  	s5 =	sadd.s32 s19, s5;
	s8 =	spop (v2sf);
	s25 =	sld [smem:$0x7EC]  }
0x12d: {  	[tilespmem:s4], [sflag:$0x2] =	stream.linear.gather [hbm4b:s2+s14], $0x80, $0x38;
	[tilespmem:$0x1C400] =	vst v63  }
0x12e: {  	s12 =	smov.u32 s31;
	s30 =	sadd.s32 $0x147B0, s30;
	s3 =	sand.u32 $0x1FFFFFF0, s8  }
0x12f: {  	[tilespmem:s25], [sflag:$0x2] =	stream.linear.gather [hbm4b:s17+s14], $0x80, $0x38;
	[tilespmem:$0x1C400] =	vst v63  }
0x130: {  	s4 =	sand.u32 $0x1FFFFFF0, s18;
	s2 =	sadd.s32 s19, s9;
	s17 =	spop (v2sf)  }
0x131: {  	s9 =	rddreg [dreg:$0xa];
	s4 =	sadd.s32 s19, s4;
	s18 =	spop (v2sf)  }
0x132: {  	[tilespmem:s7], [sflag:$0x2] =	stream.linear.gather [hbm4b:s2+s14], $0x80, $0x38;
	[tilespmem:$0x1C400] =	vst v63  }
0x133: {  	s2 =	sand.u32 $0x1FFFFFF0, s17;
	s25 =	spop (v2sf);
	s17 =	sld [smem:$0x7DF]  }
0x134: {  	s7 =	sand.u32 $0x1FFFFFF0, s18;
	s8 =	sand.u32 $0x1FFFFFF0, s25;
	s25 =	sld [smem:$0x7E1]  }
0x135: {  	[tilespmem:s6], [sflag:$0x2] =	stream.linear.gather [hbm4b:s4+s14], $0x80, $0x38;
	[tilespmem:$0x1C400] =	vst v63  }
0x136: {  	s12 =	sadd.s32 $0x147B0, s12;
	s7 =	sadd.s32 s19, s7;
	s6 =	sld [smem:$0x7E3]  }
0x137: {  	[tilespmem:s21], [sflag:$0x2] =	stream.linear.gather [hbm4b:s7+s14], $0x80, $0x38;
	[tilespmem:$0x1C400] =	vst v63  }
0x138: {  	s3 =	sadd.s32 s19, s3;
	s0 =	sadd.s32 s0, s9;
	s21 =	sld [smem:$0x7E0]  }
0x139: {  	s1 =	sadd.s32 s1, s9;
	s18 =	sadd.s32 s17, s9;
	s9 =	rddreg [dreg:$0xd]  }
0x13a: {  	s0 =	sadd.s32 $0xFFFFFE80, s0;
	s1 =	sadd.s32 $0xFFFFFF80, s1;
	s17 =	rddreg [dreg:$0x1b]  }
0x13b: {  	s2 =	sadd.s32 s19, s2;
	s4 =	sadd.s32 s19, s21;
	s21 =	sld [smem:$0x7E2]  }
0x13c: {  	[tilespmem:s25], [sflag:$0x2] =	stream.linear.gather [hbm4b:s4+s14], $0x80, $0x38;
	[tilespmem:$0x1C400] =	vst v63  }
0x13d: {  	s7 =	sadd.s32 $0xFFFFFF00, s18;
	s18 =	sshrl.u32 s11, $0x12;
	s11 =	sadd.s32 $0x147B0, s11  }
0x13e: {  	[tilespmem:s17], [sflag:$0x2] =	stream.linear.gather [hbm4b:s2+s14], $0x80, $0x38;
	[tilespmem:$0x1C400] =	vst v63  }
0x13f: {  	s25 =	sshrl.u32 s28, $0x12;
	s28 =	sadd.s32 $0x147B0, s28;
	s4 =	sadd.s32 s19, s21  }
0x140: {  	s2 =	smul.u32 $0xC00, s18;
	s17 =	sshrl.u32 s29, $0x12;
	s18 =	sshrl.u32 s22, $0x12  }
0x141: {  	s21 =	sshrl.u32 s15, $0x12;
	s15 =	sadd.s32 $0x147B0, s15;
	s22 =	sadd.s32 $0x147B0, s22  }
0x142: {  	[tilespmem:s0], [sflag:$0x2] =	stream.linear.gather [hbm4b:s4+s14], $0x80, $0x38;
	[tilespmem:$0x1C400] =	vst v63  }
0x143: {  	s29 =	sadd.s32 $0x147B0, s29;
	s4 =	sshrl.u32 s6, $0x12;
	s0 =	smul.u32 $0xC00, s25  }
0x144: {  	s25 =	sld [smem:$0x7E4];
	s6 =	smul.u32 $0xC00, s17;
	s2 =	sshrl.u32 s2, $0x2  }
0x145: {  	[tilespmem:s7], [sflag:$0x2] =	stream.linear.gather [hbm4b:s3+s14], $0x80, $0x38;
	[tilespmem:$0x1C400] =	vst v63  }
0x146: {  	s4 =	smul.u32 $0xC00, s4;
	s3 =	sshrl.u32 s9, $0x12;
	s7 =	sadd.s32 s19, s8  }
0x147: {  	s8 =	sshrl.u32 s13, $0x12;
	s0 =	sshrl.u32 s0, $0x2;
	s17 =	sshrl.u32 s6, $0x2  }
0x148: {  	[tilespmem:s1], [sflag:$0x2] =	stream.linear.gather [hbm4b:s7+s14], $0x80, $0x38;
	[tilespmem:$0x1C400] =	vst v63  }
0x149: {  	s9 =	sadd.s32 $0x147B0, s9;
	s13 =	sadd.s32 $0x147B0, s13;
	s1 =	smul.u32 $0xC00, s8  }
0x14a: {  	[tilespmem:s25], [sflag:$0x2] =	stream.linear.gather [hbm4b:s5+s14], $0x80, $0x38;
	[tilespmem:$0x1C400] =	vst v63  }
0x14b: {  	s0 =	sadd.s32 s0, s23;
	s7 =	smul.u32 $0xC00, s18;
	s14 =	rddreg [dreg:$0xe]  }
0x14c: {  	s4 =	sshrl.u32 s4, $0x2;
	s8 =	smul.u32 $0xC00, s21;
	[dreg:$0x1d] =	wrdreg s0;
	v0 =	vld [tilespmem:s14+$0x0]  }
0x14d: {  	s18 =	sadd.s32 s4, s23;
	s0 =	smul.u32 $0xC00, s3;
	s21 =	sld [smem:$0x7E5]  }
0x14e: {  	s1 =	sshrl.u32 s1, $0x2;
	s5 =	sshrl.u32 s31, $0x12;
	s8 =	sshrl.u32 s8, $0x2  }
0x14f: {  	s7 =	sshrl.u32 s7, $0x2;
	s31 =	sadd.s32 s2, s23;
	s25 =	sshrl.u32 s10, $0x12  }
0x150: {  	s2 =	sadd.s32 s17, s23;
	s0 =	sshrl.u32 s0, $0x2;
	s4 =	smul.u32 $0xC00, s5  }
0x151: {  	s10 =	sadd.s32 $0x147B0, s10;
	s5 =	sadd.s32 s1, s23;
	s3 =	smul.u32 $0xC00, s21;
	v0 =	vshll.u32 v0, $0x4  }
0x152: {  	s1 =	sshrl.u32 s20, $0x12;
	s7 =	sadd.s32 s7, s23;
	s6 =	smul.u32 $0xC00, s25;
	(v2sf) =	vpush v0, $0xC  }
0x153: {  	s25 =	smov.u32 s26;
	s2 =	sadd.s32 $0xFFFFF900, s2;
	s0 =	sadd.s32 s0, s23  }
0x154: {  	s14 =	sadd.s32 $0x10, s14;
	s20 =	sadd.s32 $0x147B0, s20;
	[dreg:$0x1f] =	wrdreg s7  }
0x155: {  	s26 =	sadd.s32 $0x147B0, s26;
	s7 =	sadd.s32 s8, s23;
	[smem:$0x7E8] =	sst s2  }
0x156: {  	s8 =	smov.u32 s23;
	[smem:$0x7E9] =	sst s0;
	s1 =	smul.u32 $0xC00, s1  }
0x157: {  	s4 =	sshrl.u32 s4, $0x2;
	s17 =	sshrl.u32 s3, $0x2;
	s3 =	rddreg [dreg:$0x14];
	(v2sf) =	vpush v0, $0x2  }
0x158: {  	s2 =	sshrl.u32 s6, $0x2;
	s21 =	sadd.s32 $0xFFFFFA00, s7;
	s7 =	rddreg [dreg:$0x18];
	(v2sf) =	vpush v0, $0x1  }
0x159: {  	[dreg:$0xa] =	wrdreg s8;
	s16 =	sadd.s32 s16, s8;
	s4 =	sadd.s32 s4, s23;
	(v2sf) =	vpush v0, $0xA  }
0x15a: {  	s0 =	sadd.s32 s17, s23;
	s17 =	sshrl.u32 s24, $0x12;
	[smem:$0x7EA] =	sst s21;
	(v2sf) =	vpush v0, $0x7  }
0x15b: {  	s2 =	sadd.s32 s2, s23;
	s3 =	sadd.s32 $0x147B0, s3;
	s1 =	sshrl.u32 s1, $0x2;
	(v2sf) =	vpush v0, $0x5  }
0x15c: {  	s23 =	sadd.s32 $0x800, s23;
	s21 =	rddreg [dreg:$0x16];
	s4 =	sadd.s32 $0xFFFFFA80, s4;
	(v2sf) =	vpush v0, $0x3  }
.Ltmp5:
0x15d: {  	s2 =	sadd.s32 $0xFFFFFB80, s2;
	[smem:$0x7EB] =	sst s4;
	(v2sf) =	vpush v0, $0x0;
	(pc) =	sbr.rel @p0 .LBB2_5-.Ltmp5, $4  }
0x15e: {  	s24 =	sadd.s32 $0x147B0, s24;
	s0 =	sadd.s32 $0xFFFFFE00, s0;
	[smem:$0x7EC] =	sst s2;
	(v2sf) =	vpush v0, $0xF  }
0x15f: {  	s4 =	sadd.s32 s1, s8;
	s1 =	sadd.s32 $0x147B0, s7;
	[dreg:$0x1b] =	wrdreg s0;
	(v2sf) =	vpush v0, $0x8  }
0x160: {  	s0 =	sshrl.u32 s21, $0x12;
	s8 =	sadd.s32 $0xFFFFF880, s18;
	s21 =	rddreg [dreg:$0x12];
	(v2sf) =	vpush v0, $0x4  }
0x161: {  	s18 =	sadd.s32 $0xFFFFFC80, s5;
	s6 =	smul.u32 $0xC00, s0;
	(v2sf) =	vpush v0, $0x6;
	s5 =	spop (v2sf)  }
0x162: {  	_ =	sdelay $0x3  }
0x163: {  	s0 =	spop (v2sf)  }
0x164: {  	s1 =	spop (v2sf)  }
0x165: {  	s2 =	spop (v2sf)  }
0x166: {  	s3 =	spop (v2sf)  }
0x167: {  	s7 =	spop (v2sf)  }
0x168: {  	s9 =	spop (v2sf)  }
0x169: {  	s10 =	spop (v2sf)  }
0x16a: {  	s11 =	simm.s32 $0x0;
	s10 =	sand.u32 $0x1FFFFFF0, s10  }
0x16b: {  	s24 =	sld [smem:$0x7E8];
	(v2sf) =	vpush v0, $0xD;
	s1 =	sand.u32 $0x1FFFFFF0, s1;
	s10 =	sadd.s32 s19, s10  }
0x16c: {  	(v2sf) =	vpush v0, $0xB;
	[tilespmem:s8], [sflag:$0x2] =	stream.linear.gather [hbm4b:s10+s11], $0x80, $0x38;
	[tilespmem:$0x1C400] =	vst v63  }
0x16d: {  	s26 =	rddreg [dreg:$0x1f];
	s0 =	sand.u32 $0x1FFFFFF0, s0;
	s1 =	sadd.s32 s19, s1  }
0x16e: {  	(v2sf) =	vpush v0, $0x9;
	[tilespmem:s24], [sflag:$0x2] =	stream.linear.gather [hbm4b:s1+s11], $0x80, $0x38;
	[tilespmem:$0x1C400] =	vst v63  }
0x16f: {  	s29 =	sld [smem:$0x7EA];
	s0 =	sadd.s32 s19, s0;
	s1 =	sadd.s32 $0xFFFFF980, s26  }
0x170: {  	[tilespmem:s1], [sflag:$0x2] =	stream.linear.gather [hbm4b:s0+s11], $0x80, $0x38;
	[tilespmem:$0x1C400] =	vst v63  }
0x171: {  	s28 =	sand.u32 $0x1FFFFFF0, s9;
	s1 =	spop (v2sf)  }
0x172: {  	s0 =	sadd.s32 s19, s28;
	s30 =	spop (v2sf)  }
0x173: {  	[tilespmem:s29], [sflag:$0x2] =	stream.linear.gather [hbm4b:s0+s11], $0x80, $0x38;
	[tilespmem:$0x1C400] =	vst v63  }
0x174: {  	s12 =	sld [smem:$0x7EB];
	s10 =	spop (v2sf)  }
0x175: {  	s4 =	sadd.s32 $0xFFFFFB00, s4;
	s14 =	sld [smem:$0x7EC];
	s8 =	sand.u32 $0x1FFFFFF0, s10  }
0x176: {  	s15 =	sadd.s32 $0xFFFFFC00, s31;
	s7 =	sand.u32 $0x1FFFFFF0, s7;
	s8 =	sadd.s32 s19, s8  }
0x177: {  	[tilespmem:s12], [sflag:$0x2] =	stream.linear.gather [hbm4b:s8+s11], $0x80, $0x38;
	[tilespmem:$0x1C400] =	vst v63  }
0x178: {  	s23 =	rddreg [dreg:$0x1d];
	s7 =	sadd.s32 s19, s7;
	s13 =	spop (v2sf)  }
0x179: {  	[tilespmem:s4], [sflag:$0x2] =	stream.linear.gather [hbm4b:s7+s11], $0x80, $0x38;
	[tilespmem:$0x1C400] =	vst v63  }
0x17a: {  	s2 =	sand.u32 $0x1FFFFFF0, s2;
	s20 =	spop (v2sf);
	s4 =	sand.u32 $0x1FFFFFF0, s13  }
0x17b: {  	s3 =	sand.u32 $0x1FFFFFF0, s3;
	s21 =	spop (v2sf);
	s4 =	sadd.s32 s19, s4  }
0x17c: {  	[tilespmem:s14], [sflag:$0x2] =	stream.linear.gather [hbm4b:s4+s11], $0x80, $0x38;
	[tilespmem:$0x1C400] =	vst v63  }
0x17d: {  	s3 =	sadd.s32 s19, s3;
	s0 =	sand.u32 $0x1FFFFFF0, s30;
	(v2sf) =	vpush v0, $0xE;
	s22 =	spop (v2sf)  }
0x17e: {  	[tilespmem:s15], [sflag:$0x2] =	stream.linear.gather [hbm4b:s3+s11], $0x80, $0x38;
	[tilespmem:$0x1C400] =	vst v63  }
0x17f: {  	s24 =	sld [smem:$0x7E9];
	s0 =	sadd.s32 s19, s0;
	s4 =	sand.u32 $0x1FFFFFF0, s22  }
0x180: {  	[tilespmem:s18], [sflag:$0x2] =	stream.linear.gather [hbm4b:s0+s11], $0x80, $0x38;
	[tilespmem:$0x1C400] =	vst v63  }
0x181: {  	s2 =	sadd.s32 s19, s2;
	s7 =	sadd.s32 $0xFFFFFD00, s23;
	s4 =	sadd.s32 s19, s4  }
0x182: {  	[tilespmem:s7], [sflag:$0x2] =	stream.linear.gather [hbm4b:s4+s11], $0x80, $0x38;
	[tilespmem:$0x1C400] =	vst v63  }
0x183: {  	s26 =	sshrl.u32 s25, $0x12;
	s0 =	sand.u32 $0x1FFFFFF0, s21;
	s4 =	sadd.s32 $0xFFFFFD80, s24  }
0x184: {  	[tilespmem:s4], [sflag:$0x2] =	stream.linear.gather [hbm4b:s2+s11], $0x80, $0x38;
	[tilespmem:$0x1C400] =	vst v63  }
0x185: {  	s28 =	rddreg [dreg:$0x1b];
	s0 =	sadd.s32 s19, s0;
	s2 =	smul.u32 $0xC00, s26  }
0x186: {  	[tilespmem:s28], [sflag:$0x2] =	stream.linear.gather [hbm4b:s0+s11], $0x80, $0x38;
	[tilespmem:$0x1C400] =	vst v63  }
0x187: {  	s31 =	rddreg [dreg:$0xa];
	s29 =	sshrl.u32 s2, $0x2  }
0x188: {  	s30 =	sand.u32 $0x1FFFFFF0, s5;
	s5 =	sshrl.u32 s6, $0x2;
	s0 =	sadd.s32 s29, s31  }
0x189: {  	s7 =	smul.u32 $0xC00, s17;
	s2 =	sadd.s32 s19, s30;
	s0 =	sadd.s32 $0xFFFFFE80, s0  }
0x18a: {  	[tilespmem:s0], [sflag:$0x2] =	stream.linear.gather [hbm4b:s2+s11], $0x80, $0x38;
	[tilespmem:$0x1C400] =	vst v63  }
0x18b: {  	s6 =	sand.u32 $0x1FFFFFF0, s20;
	s8 =	sshrl.u32 s7, $0x2;
	s0 =	sadd.s32 s5, s31  }
0x18c: {  	s9 =	spop (v2sf);
	s2 =	sadd.s32 s19, s6;
	s0 =	sadd.s32 $0xFFFFFF00, s0  }
0x18d: {  	[tilespmem:s0], [sflag:$0x2] =	stream.linear.gather [hbm4b:s2+s11], $0x80, $0x38;
	[tilespmem:$0x1C400] =	vst v63  }
0x18e: {  	s10 =	sand.u32 $0x1FFFFFF0, s1;
	s0 =	sadd.s32 s8, s31;
	s2 =	sand.u32 $0x1FFFFFF0, s9  }
0x18f: {  	s5 =	sld [smem:$0x7E6];
	s0 =	sadd.s32 $0xFFFFFF80, s0;
	s2 =	sadd.s32 s19, s2  }
0x190: {  	[tilespmem:s0], [sflag:$0x2] =	stream.linear.gather [hbm4b:s2+s11], $0x80, $0x38;
	[tilespmem:$0x1C400] =	vst v63  }
0x191: {  	s13 =	sld [smem:$0x7F9];
	s14 =	simm.s32 $0x1;
	s0 =	sadd.s32 s19, s10  }
0x192: {  	[tilespmem:s16], [sflag:$0x2] =	stream.linear.gather [hbm4b:s0+s11], $0x80, $0x38;
	[tilespmem:$0x1C400] =	vst v63  }
0x193: {  	s12 =	sshll.u32 s5, $0x4;
	_ =	swait.ge [sflag:s14], $0xC800  }
0x194: {  	s0 =	sadd.s32 s13, s12;
	s15 =	sld [smem:$0x7F8]  }
0x195: {  	s0 =	smul.u32 $0x380, s0  }
0x196: {  	[sflag:s14] =	ssyncset.done $0x0  }
0x197: {  	s16 =	simm.s32 $0x400;
	[sflag:s14] =	ssyncadd.s32 $0xFFFF3800;
	s0 =	sadd.s32 s15, s0  }
0x198: {  	[hbm4b:s0+s11] =	stream.linear.scatter [tilespmem:s16], [sflag:$0x3], $0x1900, $0x38;
	[tilespmem:$0x1C400] =	vst v63  }
0x199: {  	s18 =	simm.s32 $0x2000;
	s17 =	sadd.s32 $0x380, s0  }
0x19a: {  	[hbm4b:s17+s11] =	stream.linear.scatter [tilespmem:s18], [sflag:$0x3], $0x1900, $0x38;
	[tilespmem:$0x1C400] =	vst v63  }
0x19b: {  	s21 =	simm.s32 $0x3C00;
	s20 =	sadd.s32 $0x700, s0  }
0x19c: {  	[hbm4b:s20+s11] =	stream.linear.scatter [tilespmem:s21], [sflag:$0x3], $0x1900, $0x38;
	[tilespmem:$0x1C400] =	vst v63  }
0x19d: {  	s23 =	simm.s32 $0x5800;
	s22 =	sadd.s32 $0xA80, s0  }
0x19e: {  	[hbm4b:s22+s11] =	stream.linear.scatter [tilespmem:s23], [sflag:$0x3], $0x1900, $0x38;
	[tilespmem:$0x1C400] =	vst v63  }
0x19f: {  	s25 =	simm.s32 $0x7400;
	s24 =	sadd.s32 $0xE00, s0  }
0x1a0: {  	[hbm4b:s24+s11] =	stream.linear.scatter [tilespmem:s25], [sflag:$0x3], $0x1900, $0x38;
	[tilespmem:$0x1C400] =	vst v63  }
0x1a1: {  	s3 =	simm.s32 $0x3;
	s28 =	simm.s32 $0x9000;
	s26 =	sadd.s32 $0x1180, s0  }
0x1a2: {  	[hbm4b:s26+s11] =	stream.linear.scatter [tilespmem:s28], [sflag:$0x3], $0x1900, $0x38;
	[tilespmem:$0x1C400] =	vst v63  }
0x1a3: {  	s30 =	simm.s32 $0xAC00;
	p0 =	seq.s32 s5, $0x7;
	s29 =	sadd.s32 $0x1500, s0  }
0x1a4: {  	[hbm4b:s29+s11] =	stream.linear.scatter [tilespmem:s30], [sflag:$0x3], $0x1900, $0x38;
	[tilespmem:$0x1C400] =	vst v63  }
.Ltmp6:
0x1a5: {  	s31 =	simm.s32 $0xC800;
	s0 =	sadd.s32 $0x1880, s0;
	(pc) =	sbr.rel @p0 .LBB2_10-.Ltmp6, $4  }
0x1a6: {  	[hbm4b:s0+s11] =	stream.linear.scatter [tilespmem:s31], [sflag:$0x3], $0x1900, $0x38;
	[tilespmem:$0x1C400] =	vst v63  }
0x1a7: {  	_ =	swait.ge [sflag:s3], $0xC800  }
0x1a8: {  	[sflag:s3] =	ssyncset.done $0x0  }
0x1a9: {  	s2 =	simm.s32 $0x0;
	[sflag:s3] =	ssyncadd.s32 $0xFFFF3800  }
0x1aa: {  	s1 =	sld [smem:$0x7FC]  }
0x1ab: {  	s0 =	smul.u32 $0x320, s5;
	s17 =	rddreg [dreg:$0x1]  }
0x1ac: {  	s18 =	simm.s32 $0x0;
	s19 =	simm.s32 $0xB80;
	s20 =	simm.s32 $0x0  }
0x1ad: {  	s2 =	simm.s32 $0x0;
	s4 =	simm.s32 $0x147B0;
	s21 =	simm.s32 $0x0  }
0x1ae: {  	s6 =	simm.s32 $0x0;
	s7 =	simm.s32 $0x0;
	s22 =	simm.s32 $0x0  }
0x1af: {  	s8 =	simm.s32 $0x0;
	s10 =	simm.s32 $0x0;
	s11 =	simm.s32 $0x0  }
0x1b0: {  	s23 =	simm.s32 $0x0;
	s24 =	simm.s32 $0x0;
	s2 =	smul.u32 $0xC00, s2  }
0x1b1: {  	s16 =	simm.s32 $0x0;
	s15 =	simm.s32 $0x0;
	s7 =	smul.u32 $0xC00, s7  }
0x1b2: {  	s31 =	simm.s32 $0x18521;
	s10 =	smul.u32 $0xC00, s10;
	s0 =	sadd.s32 s0, s1  }
0x1b3: {  	s28 =	simm.s32 $0x20003;
	s11 =	smul.u32 $0xC00, s11;
	s0 =	sshrl.u32 s0, $0x3  }
0x1b4: {  	s29 =	simm.s32 $0x15C2B;
	s12 =	smul.u32 $0xC00, s24;
	s0 =	sadd.s32 s17, s0  }
0x1b5: {  	[tilespmem:s18], [sflag:$0x3] =	stream.linear.gather [hbm4b:s0+s18], $0x190, $0x38;
	[tilespmem:$0x1C400] =	vst v63  }
0x1b6: {  	s30 =	simm.s32 $0x27AE5;
	s9 =	smul.u32 $0xC00, s8;
	_ =	swait.ge [sflag:s3], $0x190  }
0x1b7: {  	s6 =	smul.u32 $0xC00, s6;
	s7 =	sshrl.u32 s7, $0x2;
	[sflag:s3] =	ssyncset.done $0x0  }
0x1b8: {  	s1 =	smul.u32 $0xC00, s23;
	s11 =	sshrl.u32 s11, $0x2;
	[sflag:s3] =	ssyncadd.s32 $0xFFFFFE70  }
0x1b9: {  	s25 =	sshrl.u32 s10, $0x2;
	s2 =	sshrl.u32 s2, $0x2;
	s10 =	simm.s32 $0x0;
	v0 =	vld [tilespmem:s18+$0x0]  }
0x1ba: {  	s13 =	sshrl.u32 s6, $0x2;
	s26 =	sadd.s32 $0xB80, s25;
	s11 =	sadd.s32 $0xB80, s11  }
0x1bb: {  	s14 =	sadd.s32 $0xB80, s2;
	s6 =	sadd.s32 $0xB80, s13;
	s25 =	simm.s32 $0x0  }
0x1bc: {  	s1 =	sshrl.u32 s1, $0x2;
	s24 =	sadd.s32 $0xFFFFFE00, s6;
	s6 =	smul.u32 $0xC00, s25  }
0x1bd: {  	s25 =	simm.s32 $0x251EF;
	s0 =	smul.u32 $0xC00, s20;
	s1 =	sadd.s32 $0xB80, s1  }
0x1be: {  	[dreg:$0xb] =	wrdreg s19;
	s19 =	sadd.s32 $0xB80, s7;
	s7 =	sshrl.u32 s12, $0x2;
	v0 =	vshll.u32 v0, $0x4  }
0x1bf: {  	s12 =	smul.u32 $0xC00, s10;
	s1 =	sadd.s32 $0xFFFFF900, s1;
	[dreg:$0x19] =	wrdreg s15;
	(v2sf) =	vpush v0, $0xC  }
0x1c0: {  	s10 =	simm.s32 $0x2147E;
	s15 =	simm.s32 $0x1999C;
	[dreg:$0x1c] =	wrdreg s24  }
0x1c1: {  	s24 =	simm.s32 $0x2666A;
	s5 =	sshrl.u32 s0, $0x2;
	[smem:$0x7D7] =	sst s26  }
0x1c2: {  	s0 =	smul.u32 $0xC00, s22;
	s17 =	sadd.s32 $0xB80, s7;
	[smem:$0x7D8] =	sst s1  }
0x1c3: {  	s3 =	smul.u32 $0xC00, s21;
	s2 =	sshrl.u32 s12, $0x2;
	s12 =	simm.s32 $0x1C292  }
0x1c4: {  	s21 =	smul.u32 $0xC00, s16;
	s16 =	simm.s32 $0x10;
	s22 =	sadd.s32 $0xFFFFFA80, s17;
	(v2sf) =	vpush v0, $0x2  }
0x1c5: {  	s17 =	simm.s32 $0xF5C4;
	s13 =	sadd.s32 $0xB80, s5;
	s0 =	sshrl.u32 s0, $0x2;
	(v2sf) =	vpush v0, $0x1  }
0x1c6: {  	s18 =	sadd.s32 $0xFFFFFA00, s11;
	s2 =	sadd.s32 $0xB80, s2;
	s11 =	simm.s32 $0x1D70D;
	(v2sf) =	vpush v0, $0xA  }
0x1c7: {  	[smem:$0x7DB] =	sst s22;
	s22 =	simm.s32 $0x170A6;
	s20 =	sadd.s32 $0xB80, s0;
	(v2sf) =	vpush v0, $0x7  }
0x1c8: {  	s3 =	sshrl.u32 s3, $0x2;
	s0 =	sshrl.u32 s9, $0x2;
	[smem:$0x7DA] =	sst s18;
	(v2sf) =	vpush v0, $0x5  }
0x1c9: {  	s8 =	sshrl.u32 s21, $0x2;
	s23 =	sadd.s32 $0xFFFFFB80, s2;
	s18 =	simm.s32 $0x1EB88;
	(v2sf) =	vpush v0, $0x3  }
0x1ca: {  	s3 =	sadd.s32 $0xB80, s3;
	s0 =	sadd.s32 $0xB80, s0;
	[smem:$0x7DC] =	sst s23;
	(v2sf) =	vpush v0, $0x0  }
0x1cb: {  	s21 =	sadd.s32 $0xB80, s8;
	s8 =	sadd.s32 $0xFFFFF880, s19;
	s19 =	rddreg [dreg:$0x3];
	(v2sf) =	vpush v0, $0xF  }
0x1cc: {  	s26 =	sadd.s32 $0xFFFFFC80, s20;
	s20 =	simm.s32 $0x1AE17;
	[dreg:$0x1e] =	wrdreg s3;
	(v2sf) =	vpush v0, $0x8  }
0x1cd: {  	s23 =	simm.s32 $0x1380;
	[smem:$0x7D9] =	sst s0;
	s3 =	simm.s32 $0x228F9;
	(v2sf) =	vpush v0, $0x4  }
0x1ce: {  	[smem:$0x7DD] =	sst s26;
	s26 =	simm.s32 $0x23D74;
	(v2sf) =	vpush v0, $0x6;
	s5 =	spop (v2sf)  }
.LBB2_8:
0x1cf: {  	[smem:$0x7D4] =	sst s13  }
0x1d0: {  	[dreg:$0x15] =	wrdreg s3;
	s0 =	sand.u32 $0x1FFFFFF0, s5;
	s1 =	smov.u32 s4  }
0x1d1: {  	s2 =	sadd.s32 $0x147B0, s4;
	p0 =	sne.s32 s4, $0x1EB880;
	s4 =	rddreg [dreg:$0x1e]  }
0x1d2: {  	[smem:$0x7D2] =	sst s0  }
0x1d3: {  	[smem:$0x7D3] =	sst s1  }
0x1d4: {  	s7 =	smov.u32 s25;
	[dreg:$0x13] =	wrdreg s2  }
0x1d5: {  	[dreg:$0x17] =	wrdreg s7  }
0x1d6: {  	s9 =	sshrl.u32 s6, $0x2;
	s2 =	sshrl.u32 s3, $0x12;
	s13 =	spop (v2sf)  }
0x1d7: {  	[smem:$0x7CE] =	sst s9;
	s7 =	sand.u32 $0x1FFFFFF0, s13;
	s13 =	spop (v2sf)  }
0x1d8: {  	s0 =	sshrl.u32 s17, $0x12;
	[smem:$0x7D5] =	sst s2;
	s17 =	spop (v2sf)  }
0x1d9: {  	s1 =	sand.u32 $0x1FFFFFF0, s13;
	s13 =	sld [smem:$0x7D9];
	s6 =	sand.u32 $0x1FFFFFF0, s17  }
0x1da: {  	s9 =	spop (v2sf);
	s1 =	sadd.s32 s19, s1;
	[smem:$0x7D0] =	sst s6  }
0x1db: {  	s5 =	sand.u32 $0x1FFFFFF0, s9;
	s17 =	spop (v2sf);
	s6 =	sld [smem:$0x7D7]  }
0x1dc: {  	s2 =	sadd.s32 $0xFFFFFD80, s13;
	s3 =	spop (v2sf);
	s13 =	rddreg [dreg:$0x3]  }
0x1dd: {  	[smem:$0x7D1] =	sst s2;
	s2 =	sand.u32 $0x1FFFFFF0, s17;
	s17 =	smov.u32 s16  }
0x1de: {  	s16 =	smov.u32 s31;
	s31 =	smov.u32 s15;
	s15 =	smov.u32 s11  }
0x1df: {  	s11 =	smov.u32 s14;
	s14 =	smov.u32 s12;
	s12 =	sand.u32 $0x1FFFFFF0, s3  }
0x1e0: {  	s3 =	sadd.s32 $0xFFFFFD00, s4;
	s9 =	spop (v2sf);
	s7 =	sadd.s32 s13, s7  }
0x1e1: {  	s13 =	simm.s32 $0x0;
	s9 =	sand.u32 $0x1FFFFFF0, s9;
	s4 =	spop (v2sf)  }
0x1e2: {  	[smem:$0x7CF] =	sst s3;
	s9 =	sadd.s32 s19, s9;
	s19 =	spop (v2sf)  }
0x1e3: {  	s3 =	sadd.s32 $0xFFFFF980, s6;
	s6 =	smov.u32 s10;
	s10 =	spop (v2sf)  }
0x1e4: {  	[tilespmem:s8], [sflag:$0x1] =	stream.linear.gather [hbm4b:s9+s13], $0x80, $0x38;
	[tilespmem:$0x1C400] =	vst v63  }
0x1e5: {  	s0 =	smul.u32 $0xC00, s0;
	s8 =	sand.u32 $0x1FFFFFF0, s10;
	s10 =	sld [smem:$0x7D8]  }
0x1e6: {  	s21 =	sadd.s32 $0xFFFFFB00, s21;
	(v2sf) =	vpush v0, $0xD  }
0x1e7: {  	s25 =	sadd.s32 $0x147B0, s25;
	s0 =	sshrl.u32 s0, $0x2;
	s4 =	sand.u32 $0x1FFFFFF0, s4  }
0x1e8: {  	(v2sf) =	vpush v0, $0xB;
	[tilespmem:s10], [sflag:$0x1] =	stream.linear.gather [hbm4b:s1+s13], $0x80, $0x38;
	[tilespmem:$0x1C400] =	vst v63  }
0x1e9: {  	s9 =	spop (v2sf);
	s1 =	sshrl.u32 s30, $0x12;
	s10 =	rddreg [dreg:$0x3]  }
0x1ea: {  	(v2sf) =	vpush v0, $0x9;
	[tilespmem:s3], [sflag:$0x1] =	stream.linear.gather [hbm4b:s7+s13], $0x80, $0x38;
	[tilespmem:$0x1C400] =	vst v63  }
0x1eb: {  	s9 =	sand.u32 $0x1FFFFFF0, s9;
	s1 =	smul.u32 $0xC00, s1;
	s7 =	rddreg [dreg:$0x3]  }
0x1ec: {  	(v2sf) =	vpush v0, $0xE;
	s10 =	sadd.s32 s10, s12;
	s3 =	sadd.s32 s7, s8;
	s8 =	sld [smem:$0x7DA]  }
0x1ed: {  	s12 =	smov.u32 s14;
	s14 =	sld [smem:$0x7DB];
	s1 =	sshrl.u32 s1, $0x2  }
0x1ee: {  	s30 =	sadd.s32 $0x147B0, s30;
	s7 =	sadd.s32 $0xFFFFFC00, s11;
	[smem:$0x7D6] =	sst s1  }
0x1ef: {  	[tilespmem:s8], [sflag:$0x1] =	stream.linear.gather [hbm4b:s10+s13], $0x80, $0x38;
	[tilespmem:$0x1C400] =	vst v63  }
0x1f0: {  	s11 =	smov.u32 s15;
	s15 =	smov.u32 s31;
	s10 =	rddreg [dreg:$0x19]  }
0x1f1: {  	s31 =	smov.u32 s16;
	s8 =	rddreg [dreg:$0x3];
	s1 =	smul.u32 $0xC00, s10  }
0x1f2: {  	[tilespmem:s14], [sflag:$0x1] =	stream.linear.gather [hbm4b:s3+s13], $0x80, $0x38;
	[tilespmem:$0x1C400] =	vst v63  }
0x1f3: {  	s2 =	sadd.s32 s8, s2;
	s8 =	sand.u32 $0x1FFFFFF0, s19;
	s19 =	rddreg [dreg:$0x3]  }
0x1f4: {  	[tilespmem:s21], [sflag:$0x1] =	stream.linear.gather [hbm4b:s2+s13], $0x80, $0x38;
	[tilespmem:$0x1C400] =	vst v63  }
0x1f5: {  	s16 =	smov.u32 s17;
	s10 =	spop (v2sf);
	s21 =	sld [smem:$0x7DC]  }
0x1f6: {  	s16 =	sadd.s32 $0x10, s16;
	s14 =	rddreg [dreg:$0x3];
	s3 =	sand.u32 $0x1FFFFFF0, s10  }
0x1f7: {  	s2 =	sadd.s32 s14, s9;
	s9 =	sadd.s32 s19, s5;
	s10 =	spop (v2sf)  }
0x1f8: {  	[tilespmem:s21], [sflag:$0x1] =	stream.linear.gather [hbm4b:s2+s13], $0x80, $0x38;
	[tilespmem:$0x1C400] =	vst v63  }
0x1f9: {  	s14 =	spop (v2sf);
	s2 =	sand.u32 $0x1FFFFFF0, s10;
	s10 =	sld [smem:$0x7DD]  }
0x1fa: {  	[tilespmem:s7], [sflag:$0x1] =	stream.linear.gather [hbm4b:s9+s13], $0x80, $0x38;
	[tilespmem:$0x1C400] =	vst v63  }
0x1fb: {  	s21 =	spop (v2sf);
	s7 =	sand.u32 $0x1FFFFFF0, s14;
	s14 =	sld [smem:$0x7CE]  }
0x1fc: {  	s8 =	sadd.s32 s19, s8;
	s9 =	sand.u32 $0x1FFFFFF0, s21;
	s21 =	sld [smem:$0x7CF]  }
0x1fd: {  	[tilespmem:s10], [sflag:$0x1] =	stream.linear.gather [hbm4b:s8+s13], $0x80, $0x38;
	[tilespmem:$0x1C400] =	vst v63  }
0x1fe: {  	s1 =	sshrl.u32 s1, $0x2;
	s3 =	sadd.s32 s19, s3;
	s10 =	rddreg [dreg:$0xb]  }
0x1ff: {  	s2 =	sadd.s32 s19, s2;
	s7 =	sadd.s32 s19, s7;
	s8 =	sadd.s32 s14, s10  }
0x200: {  	s14 =	sld [smem:$0x7D0];
	s0 =	sadd.s32 s0, s10;
	s1 =	sadd.s32 s1, s10  }
0x201: {  	[tilespmem:s21], [sflag:$0x1] =	stream.linear.gather [hbm4b:s7+s13], $0x80, $0x38;
	[tilespmem:$0x1C400] =	vst v63  }
0x202: {  	s10 =	smov.u32 s6;
	s7 =	sadd.s32 $0xFFFFFF00, s8;
	s21 =	sld [smem:$0x7D1]  }
0x203: {  	s0 =	sadd.s32 $0xFFFFFE80, s0;
	s8 =	sld [smem:$0x7D2];
	s1 =	sadd.s32 $0xFFFFFF80, s1  }
0x204: {  	s10 =	sadd.s32 $0x147B0, s10;
	s5 =	sadd.s32 s19, s14;
	s14 =	rddreg [dreg:$0x1c]  }
0x205: {  	[tilespmem:s21], [sflag:$0x1] =	stream.linear.gather [hbm4b:s5+s13], $0x80, $0x38;
	[tilespmem:$0x1C400] =	vst v63  }
0x206: {  	s21 =	sshrl.u32 s11, $0x12;
	s5 =	sadd.s32 s19, s8;
	s8 =	sshrl.u32 s18, $0x12  }
0x207: {  	[tilespmem:s14], [sflag:$0x1] =	stream.linear.gather [hbm4b:s2+s13], $0x80, $0x38;
	[tilespmem:$0x1C400] =	vst v63  }
0x208: {  	s11 =	sadd.s32 $0x147B0, s11;
	s18 =	sadd.s32 $0x147B0, s18;
	s14 =	sshrl.u32 s28, $0x12  }
0x209: {  	s2 =	smul.u32 $0xC00, s21;
	s21 =	sld [smem:$0x7D3];
	s28 =	sadd.s32 $0x147B0, s28  }
0x20a: {  	[tilespmem:s0], [sflag:$0x1] =	stream.linear.gather [hbm4b:s5+s13], $0x80, $0x38;
	[tilespmem:$0x1C400] =	vst v63  }
0x20b: {  	s0 =	smul.u32 $0xC00, s14;
	s14 =	sshrl.u32 s31, $0x12;
	s2 =	sshrl.u32 s2, $0x2  }
0x20c: {  	s31 =	sadd.s32 $0x147B0, s31;
	s5 =	sshrl.u32 s21, $0x12;
	s21 =	sld [smem:$0x7D4]  }
0x20d: {  	[tilespmem:s7], [sflag:$0x1] =	stream.linear.gather [hbm4b:s3+s13], $0x80, $0x38;
	[tilespmem:$0x1C400] =	vst v63  }
0x20e: {  	s3 =	sshrl.u32 s6, $0x12;
	s6 =	sshrl.u32 s29, $0x12;
	s5 =	smul.u32 $0xC00, s5  }
0x20f: {  	s7 =	sadd.s32 s19, s9;
	s9 =	sshrl.u32 s22, $0x12;
	s6 =	smul.u32 $0xC00, s6  }
0x210: {  	[tilespmem:s1], [sflag:$0x1] =	stream.linear.gather [hbm4b:s7+s13], $0x80, $0x38;
	[tilespmem:$0x1C400] =	vst v63  }
0x211: {  	s0 =	sshrl.u32 s0, $0x2;
	s22 =	sadd.s32 $0x147B0, s22;
	s1 =	smul.u32 $0xC00, s8  }
0x212: {  	s29 =	sadd.s32 $0x147B0, s29;
	s0 =	sadd.s32 s0, s23;
	s7 =	smul.u32 $0xC00, s9  }
0x213: {  	s8 =	sadd.s32 s19, s4;
	s5 =	sshrl.u32 s5, $0x2;
	s9 =	smul.u32 $0xC00, s14  }
0x214: {  	[tilespmem:s21], [sflag:$0x1] =	stream.linear.gather [hbm4b:s8+s13], $0x80, $0x38;
	[tilespmem:$0x1C400] =	vst v63  }
0x215: {  	s14 =	sshrl.u32 s15, $0x12;
	[dreg:$0x1e] =	wrdreg s0;
	s0 =	smul.u32 $0xC00, s3;
	v0 =	vld [tilespmem:s17+$0x0]  }
0x216: {  	s15 =	sadd.s32 $0x147B0, s15;
	s4 =	sadd.s32 s5, s23;
	s1 =	sshrl.u32 s1, $0x2  }
0x217: {  	s21 =	smul.u32 $0xC00, s14;
	s7 =	sshrl.u32 s7, $0x2;
	s14 =	sadd.s32 s2, s23  }
0x218: {  	s13 =	sshrl.u32 s6, $0x2;
	s0 =	sshrl.u32 s0, $0x2;
	s17 =	sshrl.u32 s9, $0x2  }
0x219: {  	s5 =	sadd.s32 s1, s23;
	s1 =	sshrl.u32 s20, $0x12;
	s7 =	sadd.s32 s7, s23  }
0x21a: {  	s2 =	sadd.s32 s13, s23;
	s0 =	sadd.s32 s0, s23;
	s20 =	sadd.s32 $0x147B0, s20;
	v0 =	vshll.u32 v0, $0x4  }
0x21b: {  	[smem:$0x7D7] =	sst s7;
	s7 =	sadd.s32 s17, s23;
	s9 =	sshrl.u32 s21, $0x2;
	(v2sf) =	vpush v0, $0xC  }
0x21c: {  	s17 =	sld [smem:$0x7D5];
	s21 =	sshrl.u32 s12, $0x12;
	s2 =	sadd.s32 $0xFFFFF900, s2  }
0x21d: {  	[smem:$0x7D9] =	sst s0;
	s12 =	sadd.s32 $0x147B0, s12;
	s1 =	smul.u32 $0xC00, s1  }
0x21e: {  	s6 =	smul.u32 $0xC00, s21;
	[smem:$0x7D8] =	sst s2;
	s21 =	sshrl.u32 s24, $0x12  }
0x21f: {  	s8 =	sadd.s32 s9, s23;
	s9 =	smov.u32 s23;
	[dreg:$0x19] =	wrdreg s21  }
0x220: {  	s24 =	sadd.s32 $0x147B0, s24;
	s21 =	sadd.s32 $0xFFFFFA80, s8;
	[dreg:$0xb] =	wrdreg s9;
	(v2sf) =	vpush v0, $0x2  }
0x221: {  	s8 =	rddreg [dreg:$0x17];
	s3 =	smul.u32 $0xC00, s17;
	s2 =	sshrl.u32 s6, $0x2;
	(v2sf) =	vpush v0, $0x1  }
0x222: {  	s1 =	sshrl.u32 s1, $0x2;
	[smem:$0x7DB] =	sst s21;
	s2 =	sadd.s32 s2, s23;
	(v2sf) =	vpush v0, $0xA  }
0x223: {  	s13 =	sshrl.u32 s3, $0x2;
	s3 =	rddreg [dreg:$0x15];
	s2 =	sadd.s32 $0xFFFFFB80, s2;
	(v2sf) =	vpush v0, $0x7  }
0x224: {  	s17 =	smov.u32 s26;
	s21 =	sadd.s32 s1, s9;
	[smem:$0x7DC] =	sst s2;
	(v2sf) =	vpush v0, $0x5  }
0x225: {  	s0 =	sadd.s32 s13, s23;
	s13 =	sadd.s32 $0xFFFFFA00, s7;
	s7 =	sld [smem:$0x7D6];
	(v2sf) =	vpush v0, $0x3  }
.Ltmp7:
0x226: {  	[smem:$0x7DA] =	sst s13;
	s0 =	sadd.s32 $0xFFFFFE00, s0;
	(v2sf) =	vpush v0, $0x0;
	(pc) =	sbr.rel @p0 .LBB2_8-.Ltmp7, $4  }
0x227: {  	s26 =	sadd.s32 $0x147B0, s26;
	s3 =	sadd.s32 $0x147B0, s3;
	[dreg:$0x1c] =	wrdreg s0;
	(v2sf) =	vpush v0, $0xF  }
0x228: {  	s0 =	sshrl.u32 s8, $0x12;
	s8 =	sadd.s32 $0xFFFFF880, s4;
	s4 =	rddreg [dreg:$0x13];
	(v2sf) =	vpush v0, $0x8  }
0x229: {  	s13 =	sadd.s32 s7, s9;
	s6 =	smul.u32 $0xC00, s0;
	s9 =	sadd.s32 $0xFFFFFC80, s5;
	(v2sf) =	vpush v0, $0x4  }
0x22a: {  	s23 =	sadd.s32 $0x800, s23;
	[smem:$0x7DD] =	sst s9;
	(v2sf) =	vpush v0, $0x6;
	s5 =	spop (v2sf)  }
0x22b: {  	_ =	sdelay $0x3  }
0x22c: {  	s0 =	spop (v2sf)  }
0x22d: {  	s1 =	spop (v2sf)  }
0x22e: {  	s2 =	spop (v2sf)  }
0x22f: {  	s3 =	spop (v2sf)  }
0x230: {  	s4 =	spop (v2sf)  }
0x231: {  	s7 =	spop (v2sf)  }
0x232: {  	s9 =	spop (v2sf)  }
0x233: {  	s10 =	simm.s32 $0x0;
	s23 =	sld [smem:$0x7D8];
	s9 =	sand.u32 $0x1FFFFFF0, s9  }
0x234: {  	s24 =	sld [smem:$0x7D7];
	(v2sf) =	vpush v0, $0xD;
	s1 =	sand.u32 $0x1FFFFFF0, s1;
	s9 =	sadd.s32 s19, s9  }
0x235: {  	(v2sf) =	vpush v0, $0xB;
	[tilespmem:s8], [sflag:$0x1] =	stream.linear.gather [hbm4b:s9+s10], $0x80, $0x38;
	[tilespmem:$0x1C400] =	vst v63  }
0x236: {  	s0 =	sand.u32 $0x1FFFFFF0, s0;
	s1 =	sadd.s32 s19, s1  }
0x237: {  	(v2sf) =	vpush v0, $0x9;
	[tilespmem:s23], [sflag:$0x1] =	stream.linear.gather [hbm4b:s1+s10], $0x80, $0x38;
	[tilespmem:$0x1C400] =	vst v63  }
0x238: {  	s26 =	sld [smem:$0x7DA];
	s0 =	sadd.s32 s19, s0;
	s1 =	sadd.s32 $0xFFFFF980, s24  }
0x239: {  	[tilespmem:s1], [sflag:$0x1] =	stream.linear.gather [hbm4b:s0+s10], $0x80, $0x38;
	[tilespmem:$0x1C400] =	vst v63  }
0x23a: {  	s30 =	sld [smem:$0x7DB];
	s25 =	sand.u32 $0x1FFFFFF0, s7;
	s1 =	spop (v2sf)  }
0x23b: {  	s12 =	sld [smem:$0x7DD];
	s0 =	sadd.s32 s19, s25;
	s28 =	spop (v2sf)  }
0x23c: {  	[tilespmem:s26], [sflag:$0x1] =	stream.linear.gather [hbm4b:s0+s10], $0x80, $0x38;
	[tilespmem:$0x1C400] =	vst v63  }
0x23d: {  	s16 =	rddreg [dreg:$0x1e];
	s29 =	spop (v2sf)  }
0x23e: {  	s31 =	sadd.s32 $0xFFFFFB00, s21;
	s18 =	sld [smem:$0x7D9];
	s7 =	sand.u32 $0x1FFFFFF0, s29  }
0x23f: {  	s20 =	sshrl.u32 s17, $0x12;
	s4 =	sand.u32 $0x1FFFFFF0, s4;
	s7 =	sadd.s32 s19, s7  }
0x240: {  	[tilespmem:s30], [sflag:$0x1] =	stream.linear.gather [hbm4b:s7+s10], $0x80, $0x38;
	[tilespmem:$0x1C400] =	vst v63  }
0x241: {  	s4 =	sadd.s32 s19, s4;
	s8 =	sld [smem:$0x7DC];
	s7 =	spop (v2sf)  }
0x242: {  	[tilespmem:s31], [sflag:$0x1] =	stream.linear.gather [hbm4b:s4+s10], $0x80, $0x38;
	[tilespmem:$0x1C400] =	vst v63  }
0x243: {  	s3 =	sand.u32 $0x1FFFFFF0, s3;
	s11 =	spop (v2sf);
	s4 =	sand.u32 $0x1FFFFFF0, s7  }
0x244: {  	s9 =	sadd.s32 $0xFFFFFC00, s14;
	s14 =	spop (v2sf);
	s4 =	sadd.s32 s19, s4  }
0x245: {  	[tilespmem:s8], [sflag:$0x1] =	stream.linear.gather [hbm4b:s4+s10], $0x80, $0x38;
	[tilespmem:$0x1C400] =	vst v63  }
0x246: {  	s3 =	sadd.s32 s19, s3;
	s0 =	sand.u32 $0x1FFFFFF0, s28;
	(v2sf) =	vpush v0, $0xE;
	s15 =	spop (v2sf)  }
0x247: {  	[tilespmem:s9], [sflag:$0x1] =	stream.linear.gather [hbm4b:s3+s10], $0x80, $0x38;
	[tilespmem:$0x1C400] =	vst v63  }
0x248: {  	s21 =	rddreg [dreg:$0x1c];
	s0 =	sadd.s32 s19, s0;
	s4 =	sand.u32 $0x1FFFFFF0, s15  }
0x249: {  	[tilespmem:s12], [sflag:$0x1] =	stream.linear.gather [hbm4b:s0+s10], $0x80, $0x38;
	[tilespmem:$0x1C400] =	vst v63  }
0x24a: {  	s2 =	sand.u32 $0x1FFFFFF0, s2;
	s7 =	sadd.s32 $0xFFFFFD00, s16;
	s4 =	sadd.s32 s19, s4  }
0x24b: {  	[tilespmem:s7], [sflag:$0x1] =	stream.linear.gather [hbm4b:s4+s10], $0x80, $0x38;
	[tilespmem:$0x1C400] =	vst v63  }
0x24c: {  	s2 =	sadd.s32 s19, s2;
	s0 =	sand.u32 $0x1FFFFFF0, s14;
	s4 =	sadd.s32 $0xFFFFFD80, s18  }
0x24d: {  	[tilespmem:s4], [sflag:$0x1] =	stream.linear.gather [hbm4b:s2+s10], $0x80, $0x38;
	[tilespmem:$0x1C400] =	vst v63  }
0x24e: {  	s24 =	rddreg [dreg:$0xb];
	s0 =	sadd.s32 s19, s0;
	s2 =	smul.u32 $0xC00, s20  }
0x24f: {  	[tilespmem:s21], [sflag:$0x1] =	stream.linear.gather [hbm4b:s0+s10], $0x80, $0x38;
	[tilespmem:$0x1C400] =	vst v63  }
0x250: {  	s23 =	sand.u32 $0x1FFFFFF0, s5;
	s5 =	sld [smem:$0x7E6];
	s22 =	sshrl.u32 s2, $0x2  }
0x251: {  	s25 =	sshrl.u32 s6, $0x2;
	s28 =	rddreg [dreg:$0x19];
	s0 =	sadd.s32 s22, s24  }
0x252: {  	s3 =	smul.u32 $0xC00, s28;
	s2 =	sadd.s32 s19, s23;
	s0 =	sadd.s32 $0xFFFFFE80, s0  }
0x253: {  	[tilespmem:s0], [sflag:$0x1] =	stream.linear.gather [hbm4b:s2+s10], $0x80, $0x38;
	[tilespmem:$0x1C400] =	vst v63  }
0x254: {  	s26 =	sand.u32 $0x1FFFFFF0, s11;
	s29 =	sshrl.u32 s3, $0x2;
	s0 =	sadd.s32 s25, s24  }
0x255: {  	s30 =	spop (v2sf);
	s2 =	sadd.s32 s19, s26;
	s0 =	sadd.s32 $0xFFFFFF00, s0  }
0x256: {  	[tilespmem:s0], [sflag:$0x1] =	stream.linear.gather [hbm4b:s2+s10], $0x80, $0x38;
	[tilespmem:$0x1C400] =	vst v63  }
.Ltmp8:
0x257: {  	s0 =	sadd.s32 s29, s24;
	s2 =	sand.u32 $0x1FFFFFF0, s30;
	(pc) =	sbr.rel .LBB2_10-.Ltmp8, $4  }
0x258: {  	s31 =	sand.u32 $0x1FFFFFF0, s1;
	s0 =	sadd.s32 $0xFFFFFF80, s0;
	s2 =	sadd.s32 s19, s2  }
0x259: {  	[tilespmem:s0], [sflag:$0x1] =	stream.linear.gather [hbm4b:s2+s10], $0x80, $0x38;
	[tilespmem:$0x1C400] =	vst v63  }
0x25a: {  	s3 =	simm.s32 $0x3;
	s0 =	sadd.s32 s19, s31;
	s2 =	simm.s32 $0x0  }
0x25b: {  	[tilespmem:s13], [sflag:$0x1] =	stream.linear.gather [hbm4b:s0+s10], $0x80, $0x38;
	[tilespmem:$0x1C400] =	vst v63  }
.LBB2_12:
0x25c: {  	_ =	sfence.sel $0x180000  }
0x25d: {  	[bflag:$0x0] =	sbarrier.arrive $0xFFFF  }
0x25e: {  	_ =	strace $0x90000047  }
0x25f: {  	s0 =	stileid.u32;
	[bflag:$0x2] =	sbarrier.arrive $0xFFFF  }
0x260: {  	p0 =	sne.s32 s0, $0x0;
	s0 =	rddreg [dreg:$0x2]  }
0x261: {  	s0 =	sadd.s32 @!p0 $0x100000, s0  }
0x262: {  	[sflag:s0] =	ssyncadd.tile.s32 @!p0 $0x1;
	_ =	shalt  }
.Lfunc_end2:
_tile_overlayer_lowered:
.L_overlay_start_2:
0x263: {  	(tag) =	ssettag $0x2  }
0x264: {  	s0 =	rddreg [dreg:$0x0];
	s2 =	stileid.u32  }
0x265: {  	s1 =	rddreg [dreg:$0x1];
	p0 =	sne.s32 s2, $0x0  }
0x266: {  	s3 =	rddreg [dreg:$0x2];
	[bflag:$0x3] =	sbarrier.arrive $0xFFFF;
	s2 =	simm.s32 @!p0 $0x1C03  }
0x267: {  	[timem:s3], [sflag:s2] =	dma.local @!p0 [hbm:s0], s1  }
0x268: {  	s0 =	simm.s32 @!p0 $0x3  }
0x269: {  	_ =	swait.ge @!p0 [sflag:s0], s1  }
0x26a: {  	s1 =	ssub.s32 @!p0 $0x0, s1;
	[sflag:s0] =	ssyncset.done @!p0 $0x0  }
0x26b: {  	[sflag:s0] =	ssyncadd.s32 @!p0 s1  }
0x26c: {  	[bflag:$0x3] =	sbarrier.arrive $0xFFFF  }
0x26d: {  	_ =	shalt  }

</sc_bundles>
